<compile_context>
chip_gen: v7x
topology: tpu7x:2x2x1
jax: 0.10.2.dev20260603
libtpu: 0.0.44.dev20260713+nightly
codegen_flags: <defaults>
</compile_context>

<pallas_src>
import functools

import jax
import jax.numpy as jnp
from jax import lax
from jax.experimental import pallas as pl
from jax.experimental.pallas import tpu as pltpu
from jax.experimental.pallas import tpu_sc as plsc

N = 10000
E = 320000
D = 128
G = 64

NC = 2
NS = 16
NW = NC * NS
EPW = E // NW
CHUNK = 80
NCHUNK = EPW // CHUNK
NP = 10240
RPT = NP // NS
DEGR = 80
DEG0 = 10080


def _sc_scatter(x, eidx, zrows, rowids):
    mesh = plsc.VectorSubcoreMesh(
        core_axis_name="c", subcore_axis_name="s", num_cores=NC, num_subcores=NS
    )

    @functools.partial(
        pl.kernel,
        out_type=jax.ShapeDtypeStruct((NC, NP, D), jnp.float32),
        mesh=mesh,
        compiler_params=pltpu.CompilerParams(needs_layout_passes=False),
        scratch_types=(
            [pltpu.VMEM((CHUNK,), jnp.int32)] * 6
            + [pltpu.VMEM((CHUNK,), jnp.int32)] * 6
            + [pltpu.VMEM((CHUNK, D), jnp.float32)] * 3
            + [
                pltpu.VMEM((DEGR, D), jnp.float32),
                pltpu.VMEM((DEGR,), jnp.int32),
                pltpu.VMEM_SHARED((NP, D), jnp.float32),
                pltpu.SemaphoreType.DMA,
                pltpu.SemaphoreType.DMA,
                pltpu.SemaphoreType.DMA,
            ]
        ),
    )
    def k(x_hbm, e_hbm, zr_hbm, ri_hbm, agg_out,
          si0, si1, si2, si3, si4, si5, di0, di1, di2, di3, di4, di5,
          rw0, rw1, rw2, degh, ri, aggsh, isem, gsem, ssem):
        c = lax.axis_index("c")
        s = lax.axis_index("s")
        wid = s * NC + c
        base = wid * EPW
        sidx = (si0, si1, si2, si3, si4, si5)
        didx = (di0, di1, di2, di3, di4, di5)
        rows = (rw0, rw1, rw2)

        pltpu.sync_copy(zr_hbm, aggsh.at[pl.ds(s * RPT, RPT)])
        pltpu.sync_copy(zr_hbm.at[pl.ds(0, DEGR)], degh)
        pltpu.sync_copy(ri_hbm, ri)
        plsc.subcore_barrier()

        ones16 = jnp.ones((16,), jnp.float32)

        def idx_issue_u(j, b):
            off = base + j * CHUNK
            pltpu.async_copy(e_hbm.at[pl.ds(off, CHUNK)], sidx[b], isem)
            pltpu.async_copy(e_hbm.at[pl.ds(E + off, CHUNK)], didx[b], isem)

        def idx_wait():
            pltpu.make_async_copy(e_hbm.at[pl.ds(0, CHUNK)], si0,
                                  isem).wait()
            pltpu.make_async_copy(e_hbm.at[pl.ds(0, CHUNK)], di0,
                                  isem).wait()

        def gather_issue(j, b6, b3):
            pltpu.async_copy(x_hbm.at[sidx[b6]], rows[b3], gsem)

        def gather_wait():
            pltpu.make_async_copy(x_hbm.at[pl.ds(0, CHUNK)], rw0, gsem).wait()

        def scatter_issue(b6, b3):
            pltpu.async_copy(rows[b3], aggsh.at[didx[b6]], ssem, add=True)

        def scatter_wait():
            pltpu.make_async_copy(rw0, aggsh.at[pl.ds(0, CHUNK)], ssem).wait()

        def deg_update(b6):
            for t in range(CHUNK // 16):
                dv = didx[b6][pl.ds(t * 16, 16)]
                r = lax.shift_right_logical(dv, 7)
                col = lax.bitwise_and(dv, 127)
                plsc.addupdate_scatter(degh, [r, col], ones16)

        def step(j, b6, b3, wait_s, issue_idx_j, wait_idx, issue_g_j):
            if wait_s:
                scatter_wait()
            if issue_idx_j is not None:
                idx_issue_u(issue_idx_j, (b6 + 3) % 6)
            if wait_idx:
                idx_wait()
            if issue_g_j is not None:
                gather_issue(issue_g_j, (b6 + 1) % 6, (b3 + 1) % 3)
            gather_wait()
            deg_update(b6)
            scatter_issue(b6, b3)

        idx_issue_u(0, 0)
        idx_issue_u(1, 1)
        idx_issue_u(2, 2)
        idx_wait()
        idx_wait()
        gather_issue(0, 0, 0)
        step(0, 0, 0, False, 3, True, 1)
        step(1, 1, 1, False, 4, True, 2)

        def six(i, carry):
            j0 = 2 + i * 6
            for u in range(6):
                b6 = (2 + u) % 6
                b3 = (2 + u) % 3
                step(j0 + u, b6, b3, True, j0 + u + 3, True, j0 + u + 1)
            return carry

        lax.fori_loop(0, 20, six, 0)

        step(122, (122 % 6), (122 % 3), True, None, True, 123)
        step(123, (123 % 6), (123 % 3), True, None, False, 124)
        step(124, (124 % 6), (124 % 3), True, None, False, None)
        scatter_wait()
        scatter_wait()

        pltpu.sync_copy(degh, aggsh.at[ri], add=True)

        plsc.subcore_barrier()

        pltpu.sync_copy(aggsh.at[pl.ds(s * RPT, RPT)],
                        agg_out.at[c, pl.ds(s * RPT, RPT)])

    return k(x, eidx, zrows, rowids)


_ROWS = 2000
_GRID = N // _ROWS


def _dense_body(agg_ref, deg_ref, b_ref, wm_ref, bm_ref, wo_ref, bo_ref,
                out_ref, accp, accc):
    i = pl.program_id(0)

    @pl.when(i == 0)
    def _init():
        accp[...] = jnp.zeros_like(accp)
        accc[...] = jnp.zeros_like(accc)

    agg = agg_ref[0] + agg_ref[1]
    deg = jnp.sum(deg_ref[...], axis=1, keepdims=True)
    agg = agg / jnp.maximum(deg, 1.0)
    h = jnp.dot(agg, wm_ref[...], preferred_element_type=jnp.float32)
    h = jnp.maximum(h + bm_ref[...], 0.0)
    onehot = (b_ref[...] == lax.broadcasted_iota(jnp.int32, (1, G), 1))
    onehot = onehot.astype(jnp.float32)
    accp[...] += lax.dot_general(
        onehot, h, (((0,), (0,)), ((), ())),
        preferred_element_type=jnp.float32,
        precision=lax.Precision.HIGHEST)
    accc[...] += lax.dot_general(
        onehot, jnp.ones((_ROWS, 1), jnp.float32), (((0,), (0,)), ((), ())),
        preferred_element_type=jnp.float32,
        precision=lax.Precision.HIGHEST)

    @pl.when(i == _GRID - 1)
    def _fin():
        pooled = accp[...] / jnp.maximum(accc[...], 1.0)
        out_ref[...] = (
            jnp.dot(pooled, wo_ref[...], preferred_element_type=jnp.float32)
            + bo_ref[...])


def _dense(agg_parts, deg_t, batch2, W_msg, b_msg2, W_out, b_out2):
    return pl.pallas_call(
        _dense_body,
        grid=(_GRID,),
        in_specs=[
            pl.BlockSpec((NC, _ROWS, D), lambda i: (0, i, 0)),
            pl.BlockSpec((_ROWS, NC), lambda i: (i, 0)),
            pl.BlockSpec((_ROWS, 1), lambda i: (i, 0)),
            pl.BlockSpec((D, D), lambda i: (0, 0)),
            pl.BlockSpec((1, D), lambda i: (0, 0)),
            pl.BlockSpec((D, 1), lambda i: (0, 0)),
            pl.BlockSpec((1, 1), lambda i: (0, 0)),
        ],
        out_specs=pl.BlockSpec((G, 1), lambda i: (0, 0)),
        out_shape=jax.ShapeDtypeStruct((G, 1), jnp.float32),
        scratch_shapes=[
            pltpu.VMEM((G, D), jnp.float32),
            pltpu.VMEM((G, 1), jnp.float32),
        ],
    )(agg_parts, deg_t, batch2, W_msg, b_msg2, W_out, b_out2)


def kernel(x, edge_index, batch, W_msg, b_msg, W_out, b_out):
    eidx = edge_index.reshape(2 * E)
    zrows = jnp.zeros((RPT, D), jnp.float32)
    rowids = jnp.arange(DEG0, DEG0 + DEGR, dtype=jnp.int32)
    agg_parts = _sc_scatter(x, eidx, zrows, rowids)
    deg_t = agg_parts[:, DEG0:DEG0 + DEGR, :].reshape(NC, DEGR * D)[:, :N].T
    batch2 = batch.reshape(N, 1)
    out = _dense(agg_parts, deg_t, batch2, W_msg,
                 b_msg.reshape(1, D), W_out, b_out.reshape(1, 1))
    return out.reshape(-1)

# --- scband reference (transcript-rebuilt; emitter-appended) ---
"""Pipeline reference for scband-simple-gnn-68985764708521 (READ-ONLY COPY).

The authoritative reference and input builder live on the scoring server;
editing this copy changes nothing except your own understanding.
"""

import jax, jax.numpy as jnp
import numpy as np

N = 10000   # nodes
E = 320000  # edges
D = 128     # feature dim (= input_pool_size)
G = 64      # graphs in batch
OUT = 1     # output_size


def setup_inputs(seed: int = 0) -> dict:
    key = jax.random.key(seed)
    k1, k2, k3, k4, k5, k6, k7 = jax.random.split(key, 7)
    x = jax.random.normal(k1, (N, D), dtype=jnp.float32)
    edge_index = jax.random.randint(k2, (2, E), 0, N, dtype=jnp.int32)
    batch = jnp.sort(jax.random.randint(k3, (N,), 0, G, dtype=jnp.int32))
    # message-passing layer params (the `model_message` module, a mean-aggregation MPNN layer)
    W_msg = jax.random.normal(k4, (D, D), dtype=jnp.float32) * (1.0 / np.sqrt(D))
    b_msg = jnp.zeros((D,), dtype=jnp.float32)
    # output linear layer (self.lin_out)
    W_out = jax.random.normal(k5, (D, OUT), dtype=jnp.float32) * (1.0 / np.sqrt(D))
    b_out = jnp.zeros((OUT,), dtype=jnp.float32)
    return {"x": x, "edge_index": edge_index, "batch": batch,
            "W_msg": W_msg, "b_msg": b_msg, "W_out": W_out, "b_out": b_out}


def reference(x, edge_index, batch, W_msg, b_msg, W_out, b_out):
    src = edge_index[0]
    dst = edge_index[1]
    # message passing: gather neighbor features, mean-aggregate at destination
    msgs = jnp.take(x, src, axis=0)                                   # [E, D] gather
    agg = jax.ops.segment_sum(msgs, dst, num_segments=N)              # [N, D] scatter-add
    deg = jax.ops.segment_sum(jnp.ones((E,), jnp.float32), dst, num_segments=N)
    agg = agg / jnp.maximum(deg, 1.0)[:, None]
    nodes_out = jax.nn.relu(agg @ W_msg + b_msg)                      # [N, D]
    # global_mean_pool over graphs via batch vector
    pooled = jax.ops.segment_sum(nodes_out, batch, num_segments=G)    # [G, D]
    counts = jax.ops.segment_sum(jnp.ones((N,), jnp.float32), batch, num_segments=G)
    pooled = pooled / jnp.maximum(counts, 1.0)[:, None]
    # lin_out + view(-1)
    out = pooled @ W_out + b_out                                      # [G, 1]
    return out.reshape(-1)                                            # [G]

if __name__ == "__main__":
    import jax
    _d = setup_inputs()
    print(jax.jit(kernel)(*tuple(_d.values())))

</pallas_src>

<mosaic_0001>
#map = affine_map<(d0, d1) -> (0, 0)>
#map1 = affine_map<(d0, d1) -> (0)>
#map2 = affine_map<(d0, d1) -> (0, 0, 0)>
module attributes {stable_mosaic.version = 14 : i64} {
  func.func @k(%arg0: i32, %arg1: i32, %arg2: memref<10000x128xf32, #tpu.memory_space<hbm>>, %arg3: memref<640000xi32, #tpu.memory_space<hbm>>, %arg4: memref<640x128xf32, #tpu.memory_space<hbm>>, %arg5: memref<80xi32, #tpu.memory_space<hbm>>, %arg6: memref<2x10240x128xf32, #tpu.memory_space<hbm>>, %arg7: memref<80xi32, #tpu.memory_space<vmem>>, %arg8: memref<80xi32, #tpu.memory_space<vmem>>, %arg9: memref<80xi32, #tpu.memory_space<vmem>>, %arg10: memref<80xi32, #tpu.memory_space<vmem>>, %arg11: memref<80xi32, #tpu.memory_space<vmem>>, %arg12: memref<80xi32, #tpu.memory_space<vmem>>, %arg13: memref<80xi32, #tpu.memory_space<vmem>>, %arg14: memref<80xi32, #tpu.memory_space<vmem>>, %arg15: memref<80xi32, #tpu.memory_space<vmem>>, %arg16: memref<80xi32, #tpu.memory_space<vmem>>, %arg17: memref<80xi32, #tpu.memory_space<vmem>>, %arg18: memref<80xi32, #tpu.memory_space<vmem>>, %arg19: memref<80x128xf32, #tpu.memory_space<vmem>>, %arg20: memref<80x128xf32, #tpu.memory_space<vmem>>, %arg21: memref<80x128xf32, #tpu.memory_space<vmem>>, %arg22: memref<80x128xf32, #tpu.memory_space<vmem>>, %arg23: memref<80xi32, #tpu.memory_space<vmem>>, %arg24: memref<10240x128xf32, #tpu.memory_space<vmem_shared>>, %arg25: memref<!tpu.dma_semaphore, #tpu.memory_space<semaphore_mem>>, %arg26: memref<!tpu.dma_semaphore, #tpu.memory_space<semaphore_mem>>, %arg27: memref<!tpu.dma_semaphore, #tpu.memory_space<semaphore_mem>>) attributes {dimension_semantics = [#tpu.dimension_semantics<core_parallel>, #tpu.dimension_semantics<subcore_parallel>], iteration_bounds = array<i64: 2, 16>, scalar_prefetch = 0 : i64, scratch_operands = 21 : i64, tpu.core_type = #tpu.core_type<sc_vector_subcore>, window_params = [{transform_indices = #map}, {transform_indices = #map1}, {transform_indices = #map}, {transform_indices = #map1}, {transform_indices = #map2}]} {
    %mul3A = arith.constant 2 : i32
    %mul3A_0 = arith.muli %arg1, %mul3A : i32
    %add3A = arith.addi %mul3A_0, %arg0 : i32
    %mul3A_1 = arith.constant 10000 : i32
    %mul3A_2 = arith.muli %add3A, %mul3A_1 : i32
    %mul3A_3 = arith.constant 640 : i32
    %mul3A_4 = arith.muli %arg1, %mul3A_3 : i32
    "tpu.region"() ({
      %run_scoped3A = tpu.sem_alloc : memref<!tpu.dma_semaphore, #tpu.memory_space<semaphore_mem>>
      %dma_start3A_381 = arith.constant 0 : i32
      %dma_start3A_382 = tpu.memref_slice %arg24[%mul3A_4, %dma_start3A_381] : memref<10240x128xf32, #tpu.memory_space<vmem_shared>> -> memref<640x128xf32, #tpu.memory_space<vmem_shared>>
      tpu.enqueue_dma source(%arg4 : memref<640x128xf32, #tpu.memory_space<hbm>>) target(%dma_start3A_382 : memref<640x128xf32, #tpu.memory_space<vmem_shared>>) target_semaphore(%run_scoped3A : memref<!tpu.dma_semaphore, #tpu.memory_space<semaphore_mem>>)
      %dma_wait3A_383 = arith.constant 0 : i32
      %dma_wait3A_384 = tpu.memref_slice %arg24[%mul3A_4, %dma_wait3A_383] : memref<10240x128xf32, #tpu.memory_space<vmem_shared>> -> memref<640x128xf32, #tpu.memory_space<vmem_shared>>
      tpu.wait_dma2 semaphore(%run_scoped3A : memref<!tpu.dma_semaphore, #tpu.memory_space<semaphore_mem>>) src(%arg4 : memref<640x128xf32, #tpu.memory_space<hbm>>) dst(%dma_wait3A_384 : memref<640x128xf32, #tpu.memory_space<vmem_shared>>)
      tpu.yield
    }) : () -> ()
    "tpu.region"() ({
      %run_scoped3A = tpu.sem_alloc : memref<!tpu.dma_semaphore, #tpu.memory_space<semaphore_mem>>
      %dma_start3A_381 = arith.constant 0 : i32
      %dma_start3A_382 = arith.constant 0 : i32
      %dma_start3A_383 = tpu.memref_slice %arg4[%dma_start3A_381, %dma_start3A_382] : memref<640x128xf32, #tpu.memory_space<hbm>> -> memref<80x128xf32, #tpu.memory_space<hbm>>
      %dma_start3A_384 = arith.constant 0 : i32
      %dma_start3A_385 = arith.constant 0 : i32
      %dma_start3A_386 = tpu.memref_slice %arg4[%dma_start3A_384, %dma_start3A_385] : memref<640x128xf32, #tpu.memory_space<hbm>> -> memref<80x128xf32, #tpu.memory_space<hbm>>
      tpu.enqueue_dma source(%dma_start3A_386 : memref<80x128xf32, #tpu.memory_space<hbm>>) target(%arg22 : memref<80x128xf32, #tpu.memory_space<vmem>>) target_semaphore(%run_scoped3A : memref<!tpu.dma_semaphore, #tpu.memory_space<semaphore_mem>>)
      %dma_wait3A_387 = arith.constant 0 : i32
      %dma_wait3A_388 = arith.constant 0 : i32
      %dma_wait3A_389 = tpu.memref_slice %arg4[%dma_wait3A_387, %dma_wait3A_388] : memref<640x128xf32, #tpu.memory_space<hbm>> -> memref<80x128xf32, #tpu.memory_space<hbm>>
      %dma_wait3A_390 = arith.constant 0 : i32
      %dma_wait3A_391 = arith.constant 0 : i32
      %dma_wait3A_392 = tpu.memref_slice %arg4[%dma_wait3A_390, %dma_wait3A_391] : memref<640x128xf32, #tpu.memory_space<hbm>> -> memref<80x128xf32, #tpu.memory_space<hbm>>
      tpu.wait_dma2 semaphore(%run_scoped3A : memref<!tpu.dma_semaphore, #tpu.memory_space<semaphore_mem>>) src(%dma_wait3A_392 : memref<80x128xf32, #tpu.memory_space<hbm>>) dst(%arg22 : memref<80x128xf32, #tpu.memory_space<vmem>>)
      tpu.yield
    }) : () -> ()
    "tpu.region"() ({
      %run_scoped3A = tpu.sem_alloc : memref<!tpu.dma_semaphore, #tpu.memory_space<semaphore_mem>>
      tpu.enqueue_dma source(%arg5 : memref<80xi32, #tpu.memory_space<hbm>>) target(%arg23 : memref<80xi32, #tpu.memory_space<vmem>>) target_semaphore(%run_scoped3A : memref<!tpu.dma_semaphore, #tpu.memory_space<semaphore_mem>>)
      tpu.wait_dma2 semaphore(%run_scoped3A : memref<!tpu.dma_semaphore, #tpu.memory_space<semaphore_mem>>) src(%arg5 : memref<80xi32, #tpu.memory_space<hbm>>) dst(%arg23 : memref<80xi32, #tpu.memory_space<vmem>>)
      tpu.yield
    }) : () -> ()
    %barrier3A = arith.constant 0 : index
    tpu.barrier barrier_id(%barrier3A)
    %broadcast_in_dim3A = arith.constant 1.000000e+00 : f32
    %broadcast_in_dim3A_5 = vector.broadcast %broadcast_in_dim3A : f32 to vector<16xf32>
    %add3A_6 = arith.constant 0 : i32
    %add3A_7 = arith.addi %mul3A_2, %add3A_6 : i32
    %dma_start3A = tpu.memref_slice %arg3[%add3A_7] : memref<640000xi32, #tpu.memory_space<hbm>> -> memref<80xi32, #tpu.memory_space<hbm>>
    %dma_start3A_8 = tpu.memref_slice %arg3[%add3A_7] : memref<640000xi32, #tpu.memory_space<hbm>> -> memref<80xi32, #tpu.memory_space<hbm>>
    tpu.enqueue_dma source(%dma_start3A_8 : memref<80xi32, #tpu.memory_space<hbm>>) target(%arg7 : memref<80xi32, #tpu.memory_space<vmem>>) target_semaphore(%arg25 : memref<!tpu.dma_semaphore, #tpu.memory_space<semaphore_mem>>)
    %add3A_9 = arith.constant 320000 : i32
    %add3A_10 = arith.addi %add3A_9, %add3A_7 : i32
    %dma_start3A_11 = tpu.memref_slice %arg3[%add3A_10] : memref<640000xi32, #tpu.memory_space<hbm>> -> memref<80xi32, #tpu.memory_space<hbm>>
    %dma_start3A_12 = tpu.memref_slice %arg3[%add3A_10] : memref<640000xi32, #tpu.memory_space<hbm>> -> memref<80xi32, #tpu.memory_space<hbm>>
    tpu.enqueue_dma source(%dma_start3A_12 : memref<80xi32, #tpu.memory_space<hbm>>) target(%arg13 : memref<80xi32, #tpu.memory_space<vmem>>) target_semaphore(%arg25 : memref<!tpu.dma_semaphore, #tpu.memory_space<semaphore_mem>>)
    %add3A_13 = arith.constant 80 : i32
    %add3A_14 = arith.addi %mul3A_2, %add3A_13 : i32
    %dma_start3A_15 = tpu.memref_slice %arg3[%add3A_14] : memref<640000xi32, #tpu.memory_space<hbm>> -> memref<80xi32, #tpu.memory_space<hbm>>
    %dma_start3A_16 = tpu.memref_slice %arg3[%add3A_14] : memref<640000xi32, #tpu.memory_space<hbm>> -> memref<80xi32, #tpu.memory_space<hbm>>
    tpu.enqueue_dma source(%dma_start3A_16 : memref<80xi32, #tpu.memory_space<hbm>>) target(%arg8 : memref<80xi32, #tpu.memory_space<vmem>>) target_semaphore(%arg25 : memref<!tpu.dma_semaphore, #tpu.memory_space<semaphore_mem>>)
    %add3A_17 = arith.constant 320000 : i32
    %add3A_18 = arith.addi %add3A_17, %add3A_14 : i32
    %dma_start3A_19 = tpu.memref_slice %arg3[%add3A_18] : memref<640000xi32, #tpu.memory_space<hbm>> -> memref<80xi32, #tpu.memory_space<hbm>>
    %dma_start3A_20 = tpu.memref_slice %arg3[%add3A_18] : memref<640000xi32, #tpu.memory_space<hbm>> -> memref<80xi32, #tpu.memory_space<hbm>>
    tpu.enqueue_dma source(%dma_start3A_20 : memref<80xi32, #tpu.memory_space<hbm>>) target(%arg14 : memref<80xi32, #tpu.memory_space<vmem>>) target_semaphore(%arg25 : memref<!tpu.dma_semaphore, #tpu.memory_space<semaphore_mem>>)
    %add3A_21 = arith.constant 160 : i32
    %add3A_22 = arith.addi %mul3A_2, %add3A_21 : i32
    %dma_start3A_23 = tpu.memref_slice %arg3[%add3A_22] : memref<640000xi32, #tpu.memory_space<hbm>> -> memref<80xi32, #tpu.memory_space<hbm>>
    %dma_start3A_24 = tpu.memref_slice %arg3[%add3A_22] : memref<640000xi32, #tpu.memory_space<hbm>> -> memref<80xi32, #tpu.memory_space<hbm>>
    tpu.enqueue_dma source(%dma_start3A_24 : memref<80xi32, #tpu.memory_space<hbm>>) target(%arg9 : memref<80xi32, #tpu.memory_space<vmem>>) target_semaphore(%arg25 : memref<!tpu.dma_semaphore, #tpu.memory_space<semaphore_mem>>)
    %add3A_25 = arith.constant 320000 : i32
    %add3A_26 = arith.addi %add3A_25, %add3A_22 : i32
    %dma_start3A_27 = tpu.memref_slice %arg3[%add3A_26] : memref<640000xi32, #tpu.memory_space<hbm>> -> memref<80xi32, #tpu.memory_space<hbm>>
    %dma_start3A_28 = tpu.memref_slice %arg3[%add3A_26] : memref<640000xi32, #tpu.memory_space<hbm>> -> memref<80xi32, #tpu.memory_space<hbm>>
    tpu.enqueue_dma source(%dma_start3A_28 : memref<80xi32, #tpu.memory_space<hbm>>) target(%arg15 : memref<80xi32, #tpu.memory_space<vmem>>) target_semaphore(%arg25 : memref<!tpu.dma_semaphore, #tpu.memory_space<semaphore_mem>>)
    %dma_wait3A = arith.constant 0 : i32
    %dma_wait3A_29 = tpu.memref_slice %arg3[%dma_wait3A] : memref<640000xi32, #tpu.memory_space<hbm>> -> memref<80xi32, #tpu.memory_space<hbm>>
    %dma_wait3A_30 = arith.constant 0 : i32
    %dma_wait3A_31 = tpu.memref_slice %arg3[%dma_wait3A_30] : memref<640000xi32, #tpu.memory_space<hbm>> -> memref<80xi32, #tpu.memory_space<hbm>>
    tpu.wait_dma2 semaphore(%arg25 : memref<!tpu.dma_semaphore, #tpu.memory_space<semaphore_mem>>) src(%dma_wait3A_31 : memref<80xi32, #tpu.memory_space<hbm>>) dst(%arg7 : memref<80xi32, #tpu.memory_space<vmem>>)
    %dma_wait3A_32 = arith.constant 0 : i32
    %dma_wait3A_33 = tpu.memref_slice %arg3[%dma_wait3A_32] : memref<640000xi32, #tpu.memory_space<hbm>> -> memref<80xi32, #tpu.memory_space<hbm>>
    %dma_wait3A_34 = arith.constant 0 : i32
    %dma_wait3A_35 = tpu.memref_slice %arg3[%dma_wait3A_34] : memref<640000xi32, #tpu.memory_space<hbm>> -> memref<80xi32, #tpu.memory_space<hbm>>
    tpu.wait_dma2 semaphore(%arg25 : memref<!tpu.dma_semaphore, #tpu.memory_space<semaphore_mem>>) src(%dma_wait3A_35 : memref<80xi32, #tpu.memory_space<hbm>>) dst(%arg13 : memref<80xi32, #tpu.memory_space<vmem>>)
    %dma_wait3A_36 = arith.constant 0 : i32
    %dma_wait3A_37 = tpu.memref_slice %arg3[%dma_wait3A_36] : memref<640000xi32, #tpu.memory_space<hbm>> -> memref<80xi32, #tpu.memory_space<hbm>>
    %dma_wait3A_38 = arith.constant 0 : i32
    %dma_wait3A_39 = tpu.memref_slice %arg3[%dma_wait3A_38] : memref<640000xi32, #tpu.memory_space<hbm>> -> memref<80xi32, #tpu.memory_space<hbm>>
    tpu.wait_dma2 semaphore(%arg25 : memref<!tpu.dma_semaphore, #tpu.memory_space<semaphore_mem>>) src(%dma_wait3A_39 : memref<80xi32, #tpu.memory_space<hbm>>) dst(%arg7 : memref<80xi32, #tpu.memory_space<vmem>>)
    %dma_wait3A_40 = arith.constant 0 : i32
    %dma_wait3A_41 = tpu.memref_slice %arg3[%dma_wait3A_40] : memref<640000xi32, #tpu.memory_space<hbm>> -> memref<80xi32, #tpu.memory_space<hbm>>
    %dma_wait3A_42 = arith.constant 0 : i32
    %dma_wait3A_43 = tpu.memref_slice %arg3[%dma_wait3A_42] : memref<640000xi32, #tpu.memory_space<hbm>> -> memref<80xi32, #tpu.memory_space<hbm>>
    tpu.wait_dma2 semaphore(%arg25 : memref<!tpu.dma_semaphore, #tpu.memory_space<semaphore_mem>>) src(%dma_wait3A_43 : memref<80xi32, #tpu.memory_space<hbm>>) dst(%arg13 : memref<80xi32, #tpu.memory_space<vmem>>)
    %dma_start3A_44 = arith.constant 0 : i32
    %dma_start3A_45 = arith.constant 0 : i32
    %dma_start3A_46 = tpu.memref_slice %arg2[%dma_start3A_44, %dma_start3A_45] : memref<10000x128xf32, #tpu.memory_space<hbm>> -> memref<10000x128xf32, #tpu.memory_space<hbm>>
    tpu.enqueue_indirect_dma source(%dma_start3A_46 : memref<10000x128xf32, #tpu.memory_space<hbm>>) target(%arg19 : memref<80x128xf32, #tpu.memory_space<vmem>>) offsets(%arg7 : memref<80xi32, #tpu.memory_space<vmem>>) semaphore(%arg26 : memref<!tpu.dma_semaphore, #tpu.memory_space<semaphore_mem>>)
    %add3A_47 = arith.constant 240 : i32
    %add3A_48 = arith.addi %mul3A_2, %add3A_47 : i32
    %dma_start3A_49 = tpu.memref_slice %arg3[%add3A_48] : memref<640000xi32, #tpu.memory_space<hbm>> -> memref<80xi32, #tpu.memory_space<hbm>>
    %dma_start3A_50 = tpu.memref_slice %arg3[%add3A_48] : memref<640000xi32, #tpu.memory_space<hbm>> -> memref<80xi32, #tpu.memory_space<hbm>>
    tpu.enqueue_dma source(%dma_start3A_50 : memref<80xi32, #tpu.memory_space<hbm>>) target(%arg10 : memref<80xi32, #tpu.memory_space<vmem>>) target_semaphore(%arg25 : memref<!tpu.dma_semaphore, #tpu.memory_space<semaphore_mem>>)
    %add3A_51 = arith.constant 320000 : i32
    %add3A_52 = arith.addi %add3A_51, %add3A_48 : i32
    %dma_start3A_53 = tpu.memref_slice %arg3[%add3A_52] : memref<640000xi32, #tpu.memory_space<hbm>> -> memref<80xi32, #tpu.memory_space<hbm>>
    %dma_start3A_54 = tpu.memref_slice %arg3[%add3A_52] : memref<640000xi32, #tpu.memory_space<hbm>> -> memref<80xi32, #tpu.memory_space<hbm>>
    tpu.enqueue_dma source(%dma_start3A_54 : memref<80xi32, #tpu.memory_space<hbm>>) target(%arg16 : memref<80xi32, #tpu.memory_space<vmem>>) target_semaphore(%arg25 : memref<!tpu.dma_semaphore, #tpu.memory_space<semaphore_mem>>)
    %dma_wait3A_55 = arith.constant 0 : i32
    %dma_wait3A_56 = tpu.memref_slice %arg3[%dma_wait3A_55] : memref<640000xi32, #tpu.memory_space<hbm>> -> memref<80xi32, #tpu.memory_space<hbm>>
    %dma_wait3A_57 = arith.constant 0 : i32
    %dma_wait3A_58 = tpu.memref_slice %arg3[%dma_wait3A_57] : memref<640000xi32, #tpu.memory_space<hbm>> -> memref<80xi32, #tpu.memory_space<hbm>>
    tpu.wait_dma2 semaphore(%arg25 : memref<!tpu.dma_semaphore, #tpu.memory_space<semaphore_mem>>) src(%dma_wait3A_58 : memref<80xi32, #tpu.memory_space<hbm>>) dst(%arg7 : memref<80xi32, #tpu.memory_space<vmem>>)
    %dma_wait3A_59 = arith.constant 0 : i32
    %dma_wait3A_60 = tpu.memref_slice %arg3[%dma_wait3A_59] : memref<640000xi32, #tpu.memory_space<hbm>> -> memref<80xi32, #tpu.memory_space<hbm>>
    %dma_wait3A_61 = arith.constant 0 : i32
    %dma_wait3A_62 = tpu.memref_slice %arg3[%dma_wait3A_61] : memref<640000xi32, #tpu.memory_space<hbm>> -> memref<80xi32, #tpu.memory_space<hbm>>
    tpu.wait_dma2 semaphore(%arg25 : memref<!tpu.dma_semaphore, #tpu.memory_space<semaphore_mem>>) src(%dma_wait3A_62 : memref<80xi32, #tpu.memory_space<hbm>>) dst(%arg13 : memref<80xi32, #tpu.memory_space<vmem>>)
    %dma_start3A_63 = arith.constant 0 : i32
    %dma_start3A_64 = arith.constant 0 : i32
    %dma_start3A_65 = tpu.memref_slice %arg2[%dma_start3A_63, %dma_start3A_64] : memref<10000x128xf32, #tpu.memory_space<hbm>> -> memref<10000x128xf32, #tpu.memory_space<hbm>>
    tpu.enqueue_indirect_dma source(%dma_start3A_65 : memref<10000x128xf32, #tpu.memory_space<hbm>>) target(%arg20 : memref<80x128xf32, #tpu.memory_space<vmem>>) offsets(%arg8 : memref<80xi32, #tpu.memory_space<vmem>>) semaphore(%arg26 : memref<!tpu.dma_semaphore, #tpu.memory_space<semaphore_mem>>)
    %dma_wait3A_66 = arith.constant 0 : i32
    %dma_wait3A_67 = arith.constant 0 : i32
    %dma_wait3A_68 = tpu.memref_slice %arg2[%dma_wait3A_66, %dma_wait3A_67] : memref<10000x128xf32, #tpu.memory_space<hbm>> -> memref<80x128xf32, #tpu.memory_space<hbm>>
    %dma_wait3A_69 = arith.constant 0 : i32
    %dma_wait3A_70 = arith.constant 0 : i32
    %dma_wait3A_71 = tpu.memref_slice %arg2[%dma_wait3A_69, %dma_wait3A_70] : memref<10000x128xf32, #tpu.memory_space<hbm>> -> memref<80x128xf32, #tpu.memory_space<hbm>>
    tpu.wait_dma2 semaphore(%arg26 : memref<!tpu.dma_semaphore, #tpu.memory_space<semaphore_mem>>) src(%dma_wait3A_71 : memref<80x128xf32, #tpu.memory_space<hbm>>) dst(%arg19 : memref<80x128xf32, #tpu.memory_space<vmem>>)
    %get3A = arith.constant 0 : index
    %get3A_72 = tpu.vector_load %arg13[%get3A] {strides = array<i32>} : memref<80xi32, #tpu.memory_space<vmem>>, vector<16xi32>,
    %shift_right_logical3A = arith.constant 7 : i32
    %shift_right_logical3A_73 = vector.broadcast %shift_right_logical3A : i32 to vector<16xi32>
    %shift_right_logical3A_74 = arith.shrui %get3A_72, %shift_right_logical3A_73 : vector<16xi32>
    %and3A = arith.constant 127 : i32
    %and3A_75 = vector.broadcast %and3A : i32 to vector<16xi32>
    %and3A_76 = arith.andi %get3A_72, %and3A_75 : vector<16xi32>
    tpu.vector_store_idx %arg22[%shift_right_logical3A_74, %and3A_76], %broadcast_in_dim3A_5 {add = true} : memref<80x128xf32, #tpu.memory_space<vmem>>[vector<16xi32>, vector<16xi32>], vector<16xf32>,
    %get3A_77 = arith.constant 16 : index
    %get3A_78 = tpu.vector_load %arg13[%get3A_77] {strides = array<i32>} : memref<80xi32, #tpu.memory_space<vmem>>, vector<16xi32>,
    %shift_right_logical3A_79 = arith.constant 7 : i32
    %shift_right_logical3A_80 = vector.broadcast %shift_right_logical3A_79 : i32 to vector<16xi32>
    %shift_right_logical3A_81 = arith.shrui %get3A_78, %shift_right_logical3A_80 : vector<16xi32>
    %and3A_82 = arith.constant 127 : i32
    %and3A_83 = vector.broadcast %and3A_82 : i32 to vector<16xi32>
    %and3A_84 = arith.andi %get3A_78, %and3A_83 : vector<16xi32>
    tpu.vector_store_idx %arg22[%shift_right_logical3A_81, %and3A_84], %broadcast_in_dim3A_5 {add = true} : memref<80x128xf32, #tpu.memory_space<vmem>>[vector<16xi32>, vector<16xi32>], vector<16xf32>,
    %get3A_85 = arith.constant 32 : index
    %get3A_86 = tpu.vector_load %arg13[%get3A_85] {strides = array<i32>} : memref<80xi32, #tpu.memory_space<vmem>>, vector<16xi32>,
    %shift_right_logical3A_87 = arith.constant 7 : i32
    %shift_right_logical3A_88 = vector.broadcast %shift_right_logical3A_87 : i32 to vector<16xi32>
    %shift_right_logical3A_89 = arith.shrui %get3A_86, %shift_right_logical3A_88 : vector<16xi32>
    %and3A_90 = arith.constant 127 : i32
    %and3A_91 = vector.broadcast %and3A_90 : i32 to vector<16xi32>
    %and3A_92 = arith.andi %get3A_86, %and3A_91 : vector<16xi32>
    tpu.vector_store_idx %arg22[%shift_right_logical3A_89, %and3A_92], %broadcast_in_dim3A_5 {add = true} : memref<80x128xf32, #tpu.memory_space<vmem>>[vector<16xi32>, vector<16xi32>], vector<16xf32>,
    %get3A_93 = arith.constant 48 : index
    %get3A_94 = tpu.vector_load %arg13[%get3A_93] {strides = array<i32>} : memref<80xi32, #tpu.memory_space<vmem>>, vector<16xi32>,
    %shift_right_logical3A_95 = arith.constant 7 : i32
    %shift_right_logical3A_96 = vector.broadcast %shift_right_logical3A_95 : i32 to vector<16xi32>
    %shift_right_logical3A_97 = arith.shrui %get3A_94, %shift_right_logical3A_96 : vector<16xi32>
    %and3A_98 = arith.constant 127 : i32
    %and3A_99 = vector.broadcast %and3A_98 : i32 to vector<16xi32>
    %and3A_100 = arith.andi %get3A_94, %and3A_99 : vector<16xi32>
    tpu.vector_store_idx %arg22[%shift_right_logical3A_97, %and3A_100], %broadcast_in_dim3A_5 {add = true} : memref<80x128xf32, #tpu.memory_space<vmem>>[vector<16xi32>, vector<16xi32>], vector<16xf32>,
    %get3A_101 = arith.constant 64 : index
    %get3A_102 = tpu.vector_load %arg13[%get3A_101] {strides = array<i32>} : memref<80xi32, #tpu.memory_space<vmem>>, vector<16xi32>,
    %shift_right_logical3A_103 = arith.constant 7 : i32
    %shift_right_logical3A_104 = vector.broadcast %shift_right_logical3A_103 : i32 to vector<16xi32>
    %shift_right_logical3A_105 = arith.shrui %get3A_102, %shift_right_logical3A_104 : vector<16xi32>
    %and3A_106 = arith.constant 127 : i32
    %and3A_107 = vector.broadcast %and3A_106 : i32 to vector<16xi32>
    %and3A_108 = arith.andi %get3A_102, %and3A_107 : vector<16xi32>
    tpu.vector_store_idx %arg22[%shift_right_logical3A_105, %and3A_108], %broadcast_in_dim3A_5 {add = true} : memref<80x128xf32, #tpu.memory_space<vmem>>[vector<16xi32>, vector<16xi32>], vector<16xf32>,
    %dma_start3A_109 = arith.constant 0 : i32
    %dma_start3A_110 = arith.constant 0 : i32
    %dma_start3A_111 = tpu.memref_slice %arg24[%dma_start3A_109, %dma_start3A_110] : memref<10240x128xf32, #tpu.memory_space<vmem_shared>> -> memref<10240x128xf32, #tpu.memory_space<vmem_shared>>
    tpu.enqueue_indirect_dma source(%arg19 : memref<80x128xf32, #tpu.memory_space<vmem>>) target(%dma_start3A_111 : memref<10240x128xf32, #tpu.memory_space<vmem_shared>>) offsets(%arg13 : memref<80xi32, #tpu.memory_space<vmem>>) semaphore(%arg27 : memref<!tpu.dma_semaphore, #tpu.memory_space<semaphore_mem>>) {add = true}
    %add3A_112 = arith.constant 320 : i32
    %add3A_113 = arith.addi %mul3A_2, %add3A_112 : i32
    %dma_start3A_114 = tpu.memref_slice %arg3[%add3A_113] : memref<640000xi32, #tpu.memory_space<hbm>> -> memref<80xi32, #tpu.memory_space<hbm>>
    %dma_start3A_115 = tpu.memref_slice %arg3[%add3A_113] : memref<640000xi32, #tpu.memory_space<hbm>> -> memref<80xi32, #tpu.memory_space<hbm>>
    tpu.enqueue_dma source(%dma_start3A_115 : memref<80xi32, #tpu.memory_space<hbm>>) target(%arg11 : memref<80xi32, #tpu.memory_space<vmem>>) target_semaphore(%arg25 : memref<!tpu.dma_semaphore, #tpu.memory_space<semaphore_mem>>)
    %add3A_116 = arith.constant 320000 : i32
    %add3A_117 = arith.addi %add3A_116, %add3A_113 : i32
    %dma_start3A_118 = tpu.memref_slice %arg3[%add3A_117] : memref<640000xi32, #tpu.memory_space<hbm>> -> memref<80xi32, #tpu.memory_space<hbm>>
    %dma_start3A_119 = tpu.memref_slice %arg3[%add3A_117] : memref<640000xi32, #tpu.memory_space<hbm>> -> memref<80xi32, #tpu.memory_space<hbm>>
    tpu.enqueue_dma source(%dma_start3A_119 : memref<80xi32, #tpu.memory_space<hbm>>) target(%arg17 : memref<80xi32, #tpu.memory_space<vmem>>) target_semaphore(%arg25 : memref<!tpu.dma_semaphore, #tpu.memory_space<semaphore_mem>>)
    %dma_wait3A_120 = arith.constant 0 : i32
    %dma_wait3A_121 = tpu.memref_slice %arg3[%dma_wait3A_120] : memref<640000xi32, #tpu.memory_space<hbm>> -> memref<80xi32, #tpu.memory_space<hbm>>
    %dma_wait3A_122 = arith.constant 0 : i32
    %dma_wait3A_123 = tpu.memref_slice %arg3[%dma_wait3A_122] : memref<640000xi32, #tpu.memory_space<hbm>> -> memref<80xi32, #tpu.memory_space<hbm>>
    tpu.wait_dma2 semaphore(%arg25 : memref<!tpu.dma_semaphore, #tpu.memory_space<semaphore_mem>>) src(%dma_wait3A_123 : memref<80xi32, #tpu.memory_space<hbm>>) dst(%arg7 : memref<80xi32, #tpu.memory_space<vmem>>)
    %dma_wait3A_124 = arith.constant 0 : i32
    %dma_wait3A_125 = tpu.memref_slice %arg3[%dma_wait3A_124] : memref<640000xi32, #tpu.memory_space<hbm>> -> memref<80xi32, #tpu.memory_space<hbm>>
    %dma_wait3A_126 = arith.constant 0 : i32
    %dma_wait3A_127 = tpu.memref_slice %arg3[%dma_wait3A_126] : memref<640000xi32, #tpu.memory_space<hbm>> -> memref<80xi32, #tpu.memory_space<hbm>>
    tpu.wait_dma2 semaphore(%arg25 : memref<!tpu.dma_semaphore, #tpu.memory_space<semaphore_mem>>) src(%dma_wait3A_127 : memref<80xi32, #tpu.memory_space<hbm>>) dst(%arg13 : memref<80xi32, #tpu.memory_space<vmem>>)
    %dma_start3A_128 = arith.constant 0 : i32
    %dma_start3A_129 = arith.constant 0 : i32
    %dma_start3A_130 = tpu.memref_slice %arg2[%dma_start3A_128, %dma_start3A_129] : memref<10000x128xf32, #tpu.memory_space<hbm>> -> memref<10000x128xf32, #tpu.memory_space<hbm>>
    tpu.enqueue_indirect_dma source(%dma_start3A_130 : memref<10000x128xf32, #tpu.memory_space<hbm>>) target(%arg21 : memref<80x128xf32, #tpu.memory_space<vmem>>) offsets(%arg9 : memref<80xi32, #tpu.memory_space<vmem>>) semaphore(%arg26 : memref<!tpu.dma_semaphore, #tpu.memory_space<semaphore_mem>>)
    %dma_wait3A_131 = arith.constant 0 : i32
    %dma_wait3A_132 = arith.constant 0 : i32
    %dma_wait3A_133 = tpu.memref_slice %arg2[%dma_wait3A_131, %dma_wait3A_132] : memref<10000x128xf32, #tpu.memory_space<hbm>> -> memref<80x128xf32, #tpu.memory_space<hbm>>
    %dma_wait3A_134 = arith.constant 0 : i32
    %dma_wait3A_135 = arith.constant 0 : i32
    %dma_wait3A_136 = tpu.memref_slice %arg2[%dma_wait3A_134, %dma_wait3A_135] : memref<10000x128xf32, #tpu.memory_space<hbm>> -> memref<80x128xf32, #tpu.memory_space<hbm>>
    tpu.wait_dma2 semaphore(%arg26 : memref<!tpu.dma_semaphore, #tpu.memory_space<semaphore_mem>>) src(%dma_wait3A_136 : memref<80x128xf32, #tpu.memory_space<hbm>>) dst(%arg19 : memref<80x128xf32, #tpu.memory_space<vmem>>)
    %get3A_137 = arith.constant 0 : index
    %get3A_138 = tpu.vector_load %arg14[%get3A_137] {strides = array<i32>} : memref<80xi32, #tpu.memory_space<vmem>>, vector<16xi32>,
    %shift_right_logical3A_139 = arith.constant 7 : i32
    %shift_right_logical3A_140 = vector.broadcast %shift_right_logical3A_139 : i32 to vector<16xi32>
    %shift_right_logical3A_141 = arith.shrui %get3A_138, %shift_right_logical3A_140 : vector<16xi32>
    %and3A_142 = arith.constant 127 : i32
    %and3A_143 = vector.broadcast %and3A_142 : i32 to vector<16xi32>
    %and3A_144 = arith.andi %get3A_138, %and3A_143 : vector<16xi32>
    tpu.vector_store_idx %arg22[%shift_right_logical3A_141, %and3A_144], %broadcast_in_dim3A_5 {add = true} : memref<80x128xf32, #tpu.memory_space<vmem>>[vector<16xi32>, vector<16xi32>], vector<16xf32>,
    %get3A_145 = arith.constant 16 : index
    %get3A_146 = tpu.vector_load %arg14[%get3A_145] {strides = array<i32>} : memref<80xi32, #tpu.memory_space<vmem>>, vector<16xi32>,
    %shift_right_logical3A_147 = arith.constant 7 : i32
    %shift_right_logical3A_148 = vector.broadcast %shift_right_logical3A_147 : i32 to vector<16xi32>
    %shift_right_logical3A_149 = arith.shrui %get3A_146, %shift_right_logical3A_148 : vector<16xi32>
    %and3A_150 = arith.constant 127 : i32
    %and3A_151 = vector.broadcast %and3A_150 : i32 to vector<16xi32>
    %and3A_152 = arith.andi %get3A_146, %and3A_151 : vector<16xi32>
    tpu.vector_store_idx %arg22[%shift_right_logical3A_149, %and3A_152], %broadcast_in_dim3A_5 {add = true} : memref<80x128xf32, #tpu.memory_space<vmem>>[vector<16xi32>, vector<16xi32>], vector<16xf32>,
    %get3A_153 = arith.constant 32 : index
    %get3A_154 = tpu.vector_load %arg14[%get3A_153] {strides = array<i32>} : memref<80xi32, #tpu.memory_space<vmem>>, vector<16xi32>,
    %shift_right_logical3A_155 = arith.constant 7 : i32
    %shift_right_logical3A_156 = vector.broadcast %shift_right_logical3A_155 : i32 to vector<16xi32>
    %shift_right_logical3A_157 = arith.shrui %get3A_154, %shift_right_logical3A_156 : vector<16xi32>
    %and3A_158 = arith.constant 127 : i32
    %and3A_159 = vector.broadcast %and3A_158 : i32 to vector<16xi32>
    %and3A_160 = arith.andi %get3A_154, %and3A_159 : vector<16xi32>
    tpu.vector_store_idx %arg22[%shift_right_logical3A_157, %and3A_160], %broadcast_in_dim3A_5 {add = true} : memref<80x128xf32, #tpu.memory_space<vmem>>[vector<16xi32>, vector<16xi32>], vector<16xf32>,
    %get3A_161 = arith.constant 48 : index
    %get3A_162 = tpu.vector_load %arg14[%get3A_161] {strides = array<i32>} : memref<80xi32, #tpu.memory_space<vmem>>, vector<16xi32>,
    %shift_right_logical3A_163 = arith.constant 7 : i32
    %shift_right_logical3A_164 = vector.broadcast %shift_right_logical3A_163 : i32 to vector<16xi32>
    %shift_right_logical3A_165 = arith.shrui %get3A_162, %shift_right_logical3A_164 : vector<16xi32>
    %and3A_166 = arith.constant 127 : i32
    %and3A_167 = vector.broadcast %and3A_166 : i32 to vector<16xi32>
    %and3A_168 = arith.andi %get3A_162, %and3A_167 : vector<16xi32>
    tpu.vector_store_idx %arg22[%shift_right_logical3A_165, %and3A_168], %broadcast_in_dim3A_5 {add = true} : memref<80x128xf32, #tpu.memory_space<vmem>>[vector<16xi32>, vector<16xi32>], vector<16xf32>,
    %get3A_169 = arith.constant 64 : index
    %get3A_170 = tpu.vector_load %arg14[%get3A_169] {strides = array<i32>} : memref<80xi32, #tpu.memory_space<vmem>>, vector<16xi32>,
    %shift_right_logical3A_171 = arith.constant 7 : i32
    %shift_right_logical3A_172 = vector.broadcast %shift_right_logical3A_171 : i32 to vector<16xi32>
    %shift_right_logical3A_173 = arith.shrui %get3A_170, %shift_right_logical3A_172 : vector<16xi32>
    %and3A_174 = arith.constant 127 : i32
    %and3A_175 = vector.broadcast %and3A_174 : i32 to vector<16xi32>
    %and3A_176 = arith.andi %get3A_170, %and3A_175 : vector<16xi32>
    tpu.vector_store_idx %arg22[%shift_right_logical3A_173, %and3A_176], %broadcast_in_dim3A_5 {add = true} : memref<80x128xf32, #tpu.memory_space<vmem>>[vector<16xi32>, vector<16xi32>], vector<16xf32>,
    %dma_start3A_177 = arith.constant 0 : i32
    %dma_start3A_178 = arith.constant 0 : i32
    %dma_start3A_179 = tpu.memref_slice %arg24[%dma_start3A_177, %dma_start3A_178] : memref<10240x128xf32, #tpu.memory_space<vmem_shared>> -> memref<10240x128xf32, #tpu.memory_space<vmem_shared>>
    tpu.enqueue_indirect_dma source(%arg20 : memref<80x128xf32, #tpu.memory_space<vmem>>) target(%dma_start3A_179 : memref<10240x128xf32, #tpu.memory_space<vmem_shared>>) offsets(%arg14 : memref<80xi32, #tpu.memory_space<vmem>>) semaphore(%arg27 : memref<!tpu.dma_semaphore, #tpu.memory_space<semaphore_mem>>) {add = true}
    %scan3A = arith.constant 0 : i32
    %scan3A_180 = arith.constant 0 : i32
    %scan3A_181 = arith.constant 20 : i32
    %scan3A_182 = arith.addi %scan3A_180, %scan3A_181 : i32
    %scan3A_183 = arith.constant 1 : i32
    scf.for %scan3A_381 = %scan3A_180 to %scan3A_182 step %scan3A_183  : i32 {
      %mul3A_382 = arith.constant 6 : i32
      %mul3A_383 = arith.muli %scan3A_381, %mul3A_382 : i32
      %add3A_384 = arith.constant 2 : i32
      %add3A_385 = arith.addi %add3A_384, %mul3A_383 : i32
      %add3A_386 = arith.constant 0 : i32
      %add3A_387 = arith.addi %add3A_385, %add3A_386 : i32
      %add3A_388 = arith.constant 0 : i32
      %add3A_389 = arith.addi %add3A_385, %add3A_388 : i32
      %add3A_390 = arith.constant 3 : i32
      %add3A_391 = arith.addi %add3A_389, %add3A_390 : i32
      %add3A_392 = arith.constant 0 : i32
      %add3A_393 = arith.addi %add3A_385, %add3A_392 : i32
      %add3A_394 = arith.constant 1 : i32
      %add3A_395 = arith.addi %add3A_393, %add3A_394 : i32
      %dma_wait3A_396 = arith.constant 0 : i32
      %dma_wait3A_397 = arith.constant 0 : i32
      %dma_wait3A_398 = tpu.memref_slice %arg24[%dma_wait3A_396, %dma_wait3A_397] : memref<10240x128xf32, #tpu.memory_space<vmem_shared>> -> memref<80x128xf32, #tpu.memory_space<vmem_shared>>
      %dma_wait3A_399 = arith.constant 0 : i32
      %dma_wait3A_400 = arith.constant 0 : i32
      %dma_wait3A_401 = tpu.memref_slice %arg24[%dma_wait3A_399, %dma_wait3A_400] : memref<10240x128xf32, #tpu.memory_space<vmem_shared>> -> memref<80x128xf32, #tpu.memory_space<vmem_shared>>
      tpu.wait_dma2 semaphore(%arg27 : memref<!tpu.dma_semaphore, #tpu.memory_space<semaphore_mem>>) src(%arg19 : memref<80x128xf32, #tpu.memory_space<vmem>>) dst(%dma_wait3A_401 : memref<80x128xf32, #tpu.memory_space<vmem_shared>>)
      %mul3A_402 = arith.constant 80 : i32
      %mul3A_403 = arith.muli %add3A_391, %mul3A_402 : i32
      %add3A_404 = arith.addi %mul3A_2, %mul3A_403 : i32
      %dma_start3A_405 = tpu.memref_slice %arg3[%add3A_404] : memref<640000xi32, #tpu.memory_space<hbm>> -> memref<80xi32, #tpu.memory_space<hbm>>
      %dma_start3A_406 = tpu.memref_slice %arg3[%add3A_404] : memref<640000xi32, #tpu.memory_space<hbm>> -> memref<80xi32, #tpu.memory_space<hbm>>
      tpu.enqueue_dma source(%dma_start3A_406 : memref<80xi32, #tpu.memory_space<hbm>>) target(%arg12 : memref<80xi32, #tpu.memory_space<vmem>>) target_semaphore(%arg25 : memref<!tpu.dma_semaphore, #tpu.memory_space<semaphore_mem>>)
      %add3A_407 = arith.constant 320000 : i32
      %add3A_408 = arith.addi %add3A_407, %add3A_404 : i32
      %dma_start3A_409 = tpu.memref_slice %arg3[%add3A_408] : memref<640000xi32, #tpu.memory_space<hbm>> -> memref<80xi32, #tpu.memory_space<hbm>>
      %dma_start3A_410 = tpu.memref_slice %arg3[%add3A_408] : memref<640000xi32, #tpu.memory_space<hbm>> -> memref<80xi32, #tpu.memory_space<hbm>>
      tpu.enqueue_dma source(%dma_start3A_410 : memref<80xi32, #tpu.memory_space<hbm>>) target(%arg18 : memref<80xi32, #tpu.memory_space<vmem>>) target_semaphore(%arg25 : memref<!tpu.dma_semaphore, #tpu.memory_space<semaphore_mem>>)
      %dma_wait3A_411 = arith.constant 0 : i32
      %dma_wait3A_412 = tpu.memref_slice %arg3[%dma_wait3A_411] : memref<640000xi32, #tpu.memory_space<hbm>> -> memref<80xi32, #tpu.memory_space<hbm>>
      %dma_wait3A_413 = arith.constant 0 : i32
      %dma_wait3A_414 = tpu.memref_slice %arg3[%dma_wait3A_413] : memref<640000xi32, #tpu.memory_space<hbm>> -> memref<80xi32, #tpu.memory_space<hbm>>
      tpu.wait_dma2 semaphore(%arg25 : memref<!tpu.dma_semaphore, #tpu.memory_space<semaphore_mem>>) src(%dma_wait3A_414 : memref<80xi32, #tpu.memory_space<hbm>>) dst(%arg7 : memref<80xi32, #tpu.memory_space<vmem>>)
      %dma_wait3A_415 = arith.constant 0 : i32
      %dma_wait3A_416 = tpu.memref_slice %arg3[%dma_wait3A_415] : memref<640000xi32, #tpu.memory_space<hbm>> -> memref<80xi32, #tpu.memory_space<hbm>>
      %dma_wait3A_417 = arith.constant 0 : i32
      %dma_wait3A_418 = tpu.memref_slice %arg3[%dma_wait3A_417] : memref<640000xi32, #tpu.memory_space<hbm>> -> memref<80xi32, #tpu.memory_space<hbm>>
      tpu.wait_dma2 semaphore(%arg25 : memref<!tpu.dma_semaphore, #tpu.memory_space<semaphore_mem>>) src(%dma_wait3A_418 : memref<80xi32, #tpu.memory_space<hbm>>) dst(%arg13 : memref<80xi32, #tpu.memory_space<vmem>>)
      %dma_start3A_419 = arith.constant 0 : i32
      %dma_start3A_420 = arith.constant 0 : i32
      %dma_start3A_421 = tpu.memref_slice %arg2[%dma_start3A_419, %dma_start3A_420] : memref<10000x128xf32, #tpu.memory_space<hbm>> -> memref<10000x128xf32, #tpu.memory_space<hbm>>
      tpu.enqueue_indirect_dma source(%dma_start3A_421 : memref<10000x128xf32, #tpu.memory_space<hbm>>) target(%arg19 : memref<80x128xf32, #tpu.memory_space<vmem>>) offsets(%arg10 : memref<80xi32, #tpu.memory_space<vmem>>) semaphore(%arg26 : memref<!tpu.dma_semaphore, #tpu.memory_space<semaphore_mem>>)
      %dma_wait3A_422 = arith.constant 0 : i32
      %dma_wait3A_423 = arith.constant 0 : i32
      %dma_wait3A_424 = tpu.memref_slice %arg2[%dma_wait3A_422, %dma_wait3A_423] : memref<10000x128xf32, #tpu.memory_space<hbm>> -> memref<80x128xf32, #tpu.memory_space<hbm>>
      %dma_wait3A_425 = arith.constant 0 : i32
      %dma_wait3A_426 = arith.constant 0 : i32
      %dma_wait3A_427 = tpu.memref_slice %arg2[%dma_wait3A_425, %dma_wait3A_426] : memref<10000x128xf32, #tpu.memory_space<hbm>> -> memref<80x128xf32, #tpu.memory_space<hbm>>
      tpu.wait_dma2 semaphore(%arg26 : memref<!tpu.dma_semaphore, #tpu.memory_space<semaphore_mem>>) src(%dma_wait3A_427 : memref<80x128xf32, #tpu.memory_space<hbm>>) dst(%arg19 : memref<80x128xf32, #tpu.memory_space<vmem>>)
      %get3A_428 = arith.constant 0 : index
      %get3A_429 = tpu.vector_load %arg15[%get3A_428] {strides = array<i32>} : memref<80xi32, #tpu.memory_space<vmem>>, vector<16xi32>,
      %shift_right_logical3A_430 = arith.constant 7 : i32
      %shift_right_logical3A_431 = vector.broadcast %shift_right_logical3A_430 : i32 to vector<16xi32>
      %shift_right_logical3A_432 = arith.shrui %get3A_429, %shift_right_logical3A_431 : vector<16xi32>
      %and3A_433 = arith.constant 127 : i32
      %and3A_434 = vector.broadcast %and3A_433 : i32 to vector<16xi32>
      %and3A_435 = arith.andi %get3A_429, %and3A_434 : vector<16xi32>
      tpu.vector_store_idx %arg22[%shift_right_logical3A_432, %and3A_435], %broadcast_in_dim3A_5 {add = true} : memref<80x128xf32, #tpu.memory_space<vmem>>[vector<16xi32>, vector<16xi32>], vector<16xf32>,
      %get3A_436 = arith.constant 16 : index
      %get3A_437 = tpu.vector_load %arg15[%get3A_436] {strides = array<i32>} : memref<80xi32, #tpu.memory_space<vmem>>, vector<16xi32>,
      %shift_right_logical3A_438 = arith.constant 7 : i32
      %shift_right_logical3A_439 = vector.broadcast %shift_right_logical3A_438 : i32 to vector<16xi32>
      %shift_right_logical3A_440 = arith.shrui %get3A_437, %shift_right_logical3A_439 : vector<16xi32>
      %and3A_441 = arith.constant 127 : i32
      %and3A_442 = vector.broadcast %and3A_441 : i32 to vector<16xi32>
      %and3A_443 = arith.andi %get3A_437, %and3A_442 : vector<16xi32>
      tpu.vector_store_idx %arg22[%shift_right_logical3A_440, %and3A_443], %broadcast_in_dim3A_5 {add = true} : memref<80x128xf32, #tpu.memory_space<vmem>>[vector<16xi32>, vector<16xi32>], vector<16xf32>,
      %get3A_444 = arith.constant 32 : index
      %get3A_445 = tpu.vector_load %arg15[%get3A_444] {strides = array<i32>} : memref<80xi32, #tpu.memory_space<vmem>>, vector<16xi32>,
      %shift_right_logical3A_446 = arith.constant 7 : i32
      %shift_right_logical3A_447 = vector.broadcast %shift_right_logical3A_446 : i32 to vector<16xi32>
      %shift_right_logical3A_448 = arith.shrui %get3A_445, %shift_right_logical3A_447 : vector<16xi32>
      %and3A_449 = arith.constant 127 : i32
      %and3A_450 = vector.broadcast %and3A_449 : i32 to vector<16xi32>
      %and3A_451 = arith.andi %get3A_445, %and3A_450 : vector<16xi32>
      tpu.vector_store_idx %arg22[%shift_right_logical3A_448, %and3A_451], %broadcast_in_dim3A_5 {add = true} : memref<80x128xf32, #tpu.memory_space<vmem>>[vector<16xi32>, vector<16xi32>], vector<16xf32>,
      %get3A_452 = arith.constant 48 : index
      %get3A_453 = tpu.vector_load %arg15[%get3A_452] {strides = array<i32>} : memref<80xi32, #tpu.memory_space<vmem>>, vector<16xi32>,
      %shift_right_logical3A_454 = arith.constant 7 : i32
      %shift_right_logical3A_455 = vector.broadcast %shift_right_logical3A_454 : i32 to vector<16xi32>
      %shift_right_logical3A_456 = arith.shrui %get3A_453, %shift_right_logical3A_455 : vector<16xi32>
      %and3A_457 = arith.constant 127 : i32
      %and3A_458 = vector.broadcast %and3A_457 : i32 to vector<16xi32>
      %and3A_459 = arith.andi %get3A_453, %and3A_458 : vector<16xi32>
      tpu.vector_store_idx %arg22[%shift_right_logical3A_456, %and3A_459], %broadcast_in_dim3A_5 {add = true} : memref<80x128xf32, #tpu.memory_space<vmem>>[vector<16xi32>, vector<16xi32>], vector<16xf32>,
      %get3A_460 = arith.constant 64 : index
      %get3A_461 = tpu.vector_load %arg15[%get3A_460] {strides = array<i32>} : memref<80xi32, #tpu.memory_space<vmem>>, vector<16xi32>,
      %shift_right_logical3A_462 = arith.constant 7 : i32
      %shift_right_logical3A_463 = vector.broadcast %shift_right_logical3A_462 : i32 to vector<16xi32>
      %shift_right_logical3A_464 = arith.shrui %get3A_461, %shift_right_logical3A_463 : vector<16xi32>
      %and3A_465 = arith.constant 127 : i32
      %and3A_466 = vector.broadcast %and3A_465 : i32 to vector<16xi32>
      %and3A_467 = arith.andi %get3A_461, %and3A_466 : vector<16xi32>
      tpu.vector_store_idx %arg22[%shift_right_logical3A_464, %and3A_467], %broadcast_in_dim3A_5 {add = true} : memref<80x128xf32, #tpu.memory_space<vmem>>[vector<16xi32>, vector<16xi32>], vector<16xf32>,
      %dma_start3A_468 = arith.constant 0 : i32
      %dma_start3A_469 = arith.constant 0 : i32
      %dma_start3A_470 = tpu.memref_slice %arg24[%dma_start3A_468, %dma_start3A_469] : memref<10240x128xf32, #tpu.memory_space<vmem_shared>> -> memref<10240x128xf32, #tpu.memory_space<vmem_shared>>
      tpu.enqueue_indirect_dma source(%arg21 : memref<80x128xf32, #tpu.memory_space<vmem>>) target(%dma_start3A_470 : memref<10240x128xf32, #tpu.memory_space<vmem_shared>>) offsets(%arg15 : memref<80xi32, #tpu.memory_space<vmem>>) semaphore(%arg27 : memref<!tpu.dma_semaphore, #tpu.memory_space<semaphore_mem>>) {add = true}
      %add3A_471 = arith.constant 1 : i32
      %add3A_472 = arith.addi %add3A_385, %add3A_471 : i32
      %add3A_473 = arith.constant 1 : i32
      %add3A_474 = arith.addi %add3A_385, %add3A_473 : i32
      %add3A_475 = arith.constant 3 : i32
      %add3A_476 = arith.addi %add3A_474, %add3A_475 : i32
      %add3A_477 = arith.constant 1 : i32
      %add3A_478 = arith.addi %add3A_385, %add3A_477 : i32
      %add3A_479 = arith.constant 1 : i32
      %add3A_480 = arith.addi %add3A_478, %add3A_479 : i32
      %dma_wait3A_481 = arith.constant 0 : i32
      %dma_wait3A_482 = arith.constant 0 : i32
      %dma_wait3A_483 = tpu.memref_slice %arg24[%dma_wait3A_481, %dma_wait3A_482] : memref<10240x128xf32, #tpu.memory_space<vmem_shared>> -> memref<80x128xf32, #tpu.memory_space<vmem_shared>>
      %dma_wait3A_484 = arith.constant 0 : i32
      %dma_wait3A_485 = arith.constant 0 : i32
      %dma_wait3A_486 = tpu.memref_slice %arg24[%dma_wait3A_484, %dma_wait3A_485] : memref<10240x128xf32, #tpu.memory_space<vmem_shared>> -> memref<80x128xf32, #tpu.memory_space<vmem_shared>>
      tpu.wait_dma2 semaphore(%arg27 : memref<!tpu.dma_semaphore, #tpu.memory_space<semaphore_mem>>) src(%arg19 : memref<80x128xf32, #tpu.memory_space<vmem>>) dst(%dma_wait3A_486 : memref<80x128xf32, #tpu.memory_space<vmem_shared>>)
      %mul3A_487 = arith.constant 80 : i32
      %mul3A_488 = arith.muli %add3A_476, %mul3A_487 : i32
      %add3A_489 = arith.addi %mul3A_2, %mul3A_488 : i32
      %dma_start3A_490 = tpu.memref_slice %arg3[%add3A_489] : memref<640000xi32, #tpu.memory_space<hbm>> -> memref<80xi32, #tpu.memory_space<hbm>>
      %dma_start3A_491 = tpu.memref_slice %arg3[%add3A_489] : memref<640000xi32, #tpu.memory_space<hbm>> -> memref<80xi32, #tpu.memory_space<hbm>>
      tpu.enqueue_dma source(%dma_start3A_491 : memref<80xi32, #tpu.memory_space<hbm>>) target(%arg7 : memref<80xi32, #tpu.memory_space<vmem>>) target_semaphore(%arg25 : memref<!tpu.dma_semaphore, #tpu.memory_space<semaphore_mem>>)
      %add3A_492 = arith.constant 320000 : i32
      %add3A_493 = arith.addi %add3A_492, %add3A_489 : i32
      %dma_start3A_494 = tpu.memref_slice %arg3[%add3A_493] : memref<640000xi32, #tpu.memory_space<hbm>> -> memref<80xi32, #tpu.memory_space<hbm>>
      %dma_start3A_495 = tpu.memref_slice %arg3[%add3A_493] : memref<640000xi32, #tpu.memory_space<hbm>> -> memref<80xi32, #tpu.memory_space<hbm>>
      tpu.enqueue_dma source(%dma_start3A_495 : memref<80xi32, #tpu.memory_space<hbm>>) target(%arg13 : memref<80xi32, #tpu.memory_space<vmem>>) target_semaphore(%arg25 : memref<!tpu.dma_semaphore, #tpu.memory_space<semaphore_mem>>)
      %dma_wait3A_496 = arith.constant 0 : i32
      %dma_wait3A_497 = tpu.memref_slice %arg3[%dma_wait3A_496] : memref<640000xi32, #tpu.memory_space<hbm>> -> memref<80xi32, #tpu.memory_space<hbm>>
      %dma_wait3A_498 = arith.constant 0 : i32
      %dma_wait3A_499 = tpu.memref_slice %arg3[%dma_wait3A_498] : memref<640000xi32, #tpu.memory_space<hbm>> -> memref<80xi32, #tpu.memory_space<hbm>>
      tpu.wait_dma2 semaphore(%arg25 : memref<!tpu.dma_semaphore, #tpu.memory_space<semaphore_mem>>) src(%dma_wait3A_499 : memref<80xi32, #tpu.memory_space<hbm>>) dst(%arg7 : memref<80xi32, #tpu.memory_space<vmem>>)
      %dma_wait3A_500 = arith.constant 0 : i32
      %dma_wait3A_501 = tpu.memref_slice %arg3[%dma_wait3A_500] : memref<640000xi32, #tpu.memory_space<hbm>> -> memref<80xi32, #tpu.memory_space<hbm>>
      %dma_wait3A_502 = arith.constant 0 : i32
      %dma_wait3A_503 = tpu.memref_slice %arg3[%dma_wait3A_502] : memref<640000xi32, #tpu.memory_space<hbm>> -> memref<80xi32, #tpu.memory_space<hbm>>
      tpu.wait_dma2 semaphore(%arg25 : memref<!tpu.dma_semaphore, #tpu.memory_space<semaphore_mem>>) src(%dma_wait3A_503 : memref<80xi32, #tpu.memory_space<hbm>>) dst(%arg13 : memref<80xi32, #tpu.memory_space<vmem>>)
      %dma_start3A_504 = arith.constant 0 : i32
      %dma_start3A_505 = arith.constant 0 : i32
      %dma_start3A_506 = tpu.memref_slice %arg2[%dma_start3A_504, %dma_start3A_505] : memref<10000x128xf32, #tpu.memory_space<hbm>> -> memref<10000x128xf32, #tpu.memory_space<hbm>>
      tpu.enqueue_indirect_dma source(%dma_start3A_506 : memref<10000x128xf32, #tpu.memory_space<hbm>>) target(%arg20 : memref<80x128xf32, #tpu.memory_space<vmem>>) offsets(%arg11 : memref<80xi32, #tpu.memory_space<vmem>>) semaphore(%arg26 : memref<!tpu.dma_semaphore, #tpu.memory_space<semaphore_mem>>)
      %dma_wait3A_507 = arith.constant 0 : i32
      %dma_wait3A_508 = arith.constant 0 : i32
      %dma_wait3A_509 = tpu.memref_slice %arg2[%dma_wait3A_507, %dma_wait3A_508] : memref<10000x128xf32, #tpu.memory_space<hbm>> -> memref<80x128xf32, #tpu.memory_space<hbm>>
      %dma_wait3A_510 = arith.constant 0 : i32
      %dma_wait3A_511 = arith.constant 0 : i32
      %dma_wait3A_512 = tpu.memref_slice %arg2[%dma_wait3A_510, %dma_wait3A_511] : memref<10000x128xf32, #tpu.memory_space<hbm>> -> memref<80x128xf32, #tpu.memory_space<hbm>>
      tpu.wait_dma2 semaphore(%arg26 : memref<!tpu.dma_semaphore, #tpu.memory_space<semaphore_mem>>) src(%dma_wait3A_512 : memref<80x128xf32, #tpu.memory_space<hbm>>) dst(%arg19 : memref<80x128xf32, #tpu.memory_space<vmem>>)
      %get3A_513 = arith.constant 0 : index
      %get3A_514 = tpu.vector_load %arg16[%get3A_513] {strides = array<i32>} : memref<80xi32, #tpu.memory_space<vmem>>, vector<16xi32>,
      %shift_right_logical3A_515 = arith.constant 7 : i32
      %shift_right_logical3A_516 = vector.broadcast %shift_right_logical3A_515 : i32 to vector<16xi32>
      %shift_right_logical3A_517 = arith.shrui %get3A_514, %shift_right_logical3A_516 : vector<16xi32>
      %and3A_518 = arith.constant 127 : i32
      %and3A_519 = vector.broadcast %and3A_518 : i32 to vector<16xi32>
      %and3A_520 = arith.andi %get3A_514, %and3A_519 : vector<16xi32>
      tpu.vector_store_idx %arg22[%shift_right_logical3A_517, %and3A_520], %broadcast_in_dim3A_5 {add = true} : memref<80x128xf32, #tpu.memory_space<vmem>>[vector<16xi32>, vector<16xi32>], vector<16xf32>,
      %get3A_521 = arith.constant 16 : index
      %get3A_522 = tpu.vector_load %arg16[%get3A_521] {strides = array<i32>} : memref<80xi32, #tpu.memory_space<vmem>>, vector<16xi32>,
      %shift_right_logical3A_523 = arith.constant 7 : i32
      %shift_right_logical3A_524 = vector.broadcast %shift_right_logical3A_523 : i32 to vector<16xi32>
      %shift_right_logical3A_525 = arith.shrui %get3A_522, %shift_right_logical3A_524 : vector<16xi32>
      %and3A_526 = arith.constant 127 : i32
      %and3A_527 = vector.broadcast %and3A_526 : i32 to vector<16xi32>
      %and3A_528 = arith.andi %get3A_522, %and3A_527 : vector<16xi32>
      tpu.vector_store_idx %arg22[%shift_right_logical3A_525, %and3A_528], %broadcast_in_dim3A_5 {add = true} : memref<80x128xf32, #tpu.memory_space<vmem>>[vector<16xi32>, vector<16xi32>], vector<16xf32>,
      %get3A_529 = arith.constant 32 : index
      %get3A_530 = tpu.vector_load %arg16[%get3A_529] {strides = array<i32>} : memref<80xi32, #tpu.memory_space<vmem>>, vector<16xi32>,
      %shift_right_logical3A_531 = arith.constant 7 : i32
      %shift_right_logical3A_532 = vector.broadcast %shift_right_logical3A_531 : i32 to vector<16xi32>
      %shift_right_logical3A_533 = arith.shrui %get3A_530, %shift_right_logical3A_532 : vector<16xi32>
      %and3A_534 = arith.constant 127 : i32
      %and3A_535 = vector.broadcast %and3A_534 : i32 to vector<16xi32>
      %and3A_536 = arith.andi %get3A_530, %and3A_535 : vector<16xi32>
      tpu.vector_store_idx %arg22[%shift_right_logical3A_533, %and3A_536], %broadcast_in_dim3A_5 {add = true} : memref<80x128xf32, #tpu.memory_space<vmem>>[vector<16xi32>, vector<16xi32>], vector<16xf32>,
      %get3A_537 = arith.constant 48 : index
      %get3A_538 = tpu.vector_load %arg16[%get3A_537] {strides = array<i32>} : memref<80xi32, #tpu.memory_space<vmem>>, vector<16xi32>,
      %shift_right_logical3A_539 = arith.constant 7 : i32
      %shift_right_logical3A_540 = vector.broadcast %shift_right_logical3A_539 : i32 to vector<16xi32>
      %shift_right_logical3A_541 = arith.shrui %get3A_538, %shift_right_logical3A_540 : vector<16xi32>
      %and3A_542 = arith.constant 127 : i32
      %and3A_543 = vector.broadcast %and3A_542 : i32 to vector<16xi32>
      %and3A_544 = arith.andi %get3A_538, %and3A_543 : vector<16xi32>
      tpu.vector_store_idx %arg22[%shift_right_logical3A_541, %and3A_544], %broadcast_in_dim3A_5 {add = true} : memref<80x128xf32, #tpu.memory_space<vmem>>[vector<16xi32>, vector<16xi32>], vector<16xf32>,
      %get3A_545 = arith.constant 64 : index
      %get3A_546 = tpu.vector_load %arg16[%get3A_545] {strides = array<i32>} : memref<80xi32, #tpu.memory_space<vmem>>, vector<16xi32>,
      %shift_right_logical3A_547 = arith.constant 7 : i32
      %shift_right_logical3A_548 = vector.broadcast %shift_right_logical3A_547 : i32 to vector<16xi32>
      %shift_right_logical3A_549 = arith.shrui %get3A_546, %shift_right_logical3A_548 : vector<16xi32>
      %and3A_550 = arith.constant 127 : i32
      %and3A_551 = vector.broadcast %and3A_550 : i32 to vector<16xi32>
      %and3A_552 = arith.andi %get3A_546, %and3A_551 : vector<16xi32>
      tpu.vector_store_idx %arg22[%shift_right_logical3A_549, %and3A_552], %broadcast_in_dim3A_5 {add = true} : memref<80x128xf32, #tpu.memory_space<vmem>>[vector<16xi32>, vector<16xi32>], vector<16xf32>,
      %dma_start3A_553 = arith.constant 0 : i32
      %dma_start3A_554 = arith.constant 0 : i32
      %dma_start3A_555 = tpu.memref_slice %arg24[%dma_start3A_553, %dma_start3A_554] : memref<10240x128xf32, #tpu.memory_space<vmem_shared>> -> memref<10240x128xf32, #tpu.memory_space<vmem_shared>>
      tpu.enqueue_indirect_dma source(%arg19 : memref<80x128xf32, #tpu.memory_space<vmem>>) target(%dma_start3A_555 : memref<10240x128xf32, #tpu.memory_space<vmem_shared>>) offsets(%arg16 : memref<80xi32, #tpu.memory_space<vmem>>) semaphore(%arg27 : memref<!tpu.dma_semaphore, #tpu.memory_space<semaphore_mem>>) {add = true}
      %add3A_556 = arith.constant 2 : i32
      %add3A_557 = arith.addi %add3A_385, %add3A_556 : i32
      %add3A_558 = arith.constant 2 : i32
      %add3A_559 = arith.addi %add3A_385, %add3A_558 : i32
      %add3A_560 = arith.constant 3 : i32
      %add3A_561 = arith.addi %add3A_559, %add3A_560 : i32
      %add3A_562 = arith.constant 2 : i32
      %add3A_563 = arith.addi %add3A_385, %add3A_562 : i32
      %add3A_564 = arith.constant 1 : i32
      %add3A_565 = arith.addi %add3A_563, %add3A_564 : i32
      %dma_wait3A_566 = arith.constant 0 : i32
      %dma_wait3A_567 = arith.constant 0 : i32
      %dma_wait3A_568 = tpu.memref_slice %arg24[%dma_wait3A_566, %dma_wait3A_567] : memref<10240x128xf32, #tpu.memory_space<vmem_shared>> -> memref<80x128xf32, #tpu.memory_space<vmem_shared>>
      %dma_wait3A_569 = arith.constant 0 : i32
      %dma_wait3A_570 = arith.constant 0 : i32
      %dma_wait3A_571 = tpu.memref_slice %arg24[%dma_wait3A_569, %dma_wait3A_570] : memref<10240x128xf32, #tpu.memory_space<vmem_shared>> -> memref<80x128xf32, #tpu.memory_space<vmem_shared>>
      tpu.wait_dma2 semaphore(%arg27 : memref<!tpu.dma_semaphore, #tpu.memory_space<semaphore_mem>>) src(%arg19 : memref<80x128xf32, #tpu.memory_space<vmem>>) dst(%dma_wait3A_571 : memref<80x128xf32, #tpu.memory_space<vmem_shared>>)
      %mul3A_572 = arith.constant 80 : i32
      %mul3A_573 = arith.muli %add3A_561, %mul3A_572 : i32
      %add3A_574 = arith.addi %mul3A_2, %mul3A_573 : i32
      %dma_start3A_575 = tpu.memref_slice %arg3[%add3A_574] : memref<640000xi32, #tpu.memory_space<hbm>> -> memref<80xi32, #tpu.memory_space<hbm>>
      %dma_start3A_576 = tpu.memref_slice %arg3[%add3A_574] : memref<640000xi32, #tpu.memory_space<hbm>> -> memref<80xi32, #tpu.memory_space<hbm>>
      tpu.enqueue_dma source(%dma_start3A_576 : memref<80xi32, #tpu.memory_space<hbm>>) target(%arg8 : memref<80xi32, #tpu.memory_space<vmem>>) target_semaphore(%arg25 : memref<!tpu.dma_semaphore, #tpu.memory_space<semaphore_mem>>)
      %add3A_577 = arith.constant 320000 : i32
      %add3A_578 = arith.addi %add3A_577, %add3A_574 : i32
      %dma_start3A_579 = tpu.memref_slice %arg3[%add3A_578] : memref<640000xi32, #tpu.memory_space<hbm>> -> memref<80xi32, #tpu.memory_space<hbm>>
      %dma_start3A_580 = tpu.memref_slice %arg3[%add3A_578] : memref<640000xi32, #tpu.memory_space<hbm>> -> memref<80xi32, #tpu.memory_space<hbm>>
      tpu.enqueue_dma source(%dma_start3A_580 : memref<80xi32, #tpu.memory_space<hbm>>) target(%arg14 : memref<80xi32, #tpu.memory_space<vmem>>) target_semaphore(%arg25 : memref<!tpu.dma_semaphore, #tpu.memory_space<semaphore_mem>>)
      %dma_wait3A_581 = arith.constant 0 : i32
      %dma_wait3A_582 = tpu.memref_slice %arg3[%dma_wait3A_581] : memref<640000xi32, #tpu.memory_space<hbm>> -> memref<80xi32, #tpu.memory_space<hbm>>
      %dma_wait3A_583 = arith.constant 0 : i32
      %dma_wait3A_584 = tpu.memref_slice %arg3[%dma_wait3A_583] : memref<640000xi32, #tpu.memory_space<hbm>> -> memref<80xi32, #tpu.memory_space<hbm>>
      tpu.wait_dma2 semaphore(%arg25 : memref<!tpu.dma_semaphore, #tpu.memory_space<semaphore_mem>>) src(%dma_wait3A_584 : memref<80xi32, #tpu.memory_space<hbm>>) dst(%arg7 : memref<80xi32, #tpu.memory_space<vmem>>)
      %dma_wait3A_585 = arith.constant 0 : i32
      %dma_wait3A_586 = tpu.memref_slice %arg3[%dma_wait3A_585] : memref<640000xi32, #tpu.memory_space<hbm>> -> memref<80xi32, #tpu.memory_space<hbm>>
      %dma_wait3A_587 = arith.constant 0 : i32
      %dma_wait3A_588 = tpu.memref_slice %arg3[%dma_wait3A_587] : memref<640000xi32, #tpu.memory_space<hbm>> -> memref<80xi32, #tpu.memory_space<hbm>>
      tpu.wait_dma2 semaphore(%arg25 : memref<!tpu.dma_semaphore, #tpu.memory_space<semaphore_mem>>) src(%dma_wait3A_588 : memref<80xi32, #tpu.memory_space<hbm>>) dst(%arg13 : memref<80xi32, #tpu.memory_space<vmem>>)
      %dma_start3A_589 = arith.constant 0 : i32
      %dma_start3A_590 = arith.constant 0 : i32
      %dma_start3A_591 = tpu.memref_slice %arg2[%dma_start3A_589, %dma_start3A_590] : memref<10000x128xf32, #tpu.memory_space<hbm>> -> memref<10000x128xf32, #tpu.memory_space<hbm>>
      tpu.enqueue_indirect_dma source(%dma_start3A_591 : memref<10000x128xf32, #tpu.memory_space<hbm>>) target(%arg21 : memref<80x128xf32, #tpu.memory_space<vmem>>) offsets(%arg12 : memref<80xi32, #tpu.memory_space<vmem>>) semaphore(%arg26 : memref<!tpu.dma_semaphore, #tpu.memory_space<semaphore_mem>>)
      %dma_wait3A_592 = arith.constant 0 : i32
      %dma_wait3A_593 = arith.constant 0 : i32
      %dma_wait3A_594 = tpu.memref_slice %arg2[%dma_wait3A_592, %dma_wait3A_593] : memref<10000x128xf32, #tpu.memory_space<hbm>> -> memref<80x128xf32, #tpu.memory_space<hbm>>
      %dma_wait3A_595 = arith.constant 0 : i32
      %dma_wait3A_596 = arith.constant 0 : i32
      %dma_wait3A_597 = tpu.memref_slice %arg2[%dma_wait3A_595, %dma_wait3A_596] : memref<10000x128xf32, #tpu.memory_space<hbm>> -> memref<80x128xf32, #tpu.memory_space<hbm>>
      tpu.wait_dma2 semaphore(%arg26 : memref<!tpu.dma_semaphore, #tpu.memory_space<semaphore_mem>>) src(%dma_wait3A_597 : memref<80x128xf32, #tpu.memory_space<hbm>>) dst(%arg19 : memref<80x128xf32, #tpu.memory_space<vmem>>)
      %get3A_598 = arith.constant 0 : index
      %get3A_599 = tpu.vector_load %arg17[%get3A_598] {strides = array<i32>} : memref<80xi32, #tpu.memory_space<vmem>>, vector<16xi32>,
      %shift_right_logical3A_600 = arith.constant 7 : i32
      %shift_right_logical3A_601 = vector.broadcast %shift_right_logical3A_600 : i32 to vector<16xi32>
      %shift_right_logical3A_602 = arith.shrui %get3A_599, %shift_right_logical3A_601 : vector<16xi32>
      %and3A_603 = arith.constant 127 : i32
      %and3A_604 = vector.broadcast %and3A_603 : i32 to vector<16xi32>
      %and3A_605 = arith.andi %get3A_599, %and3A_604 : vector<16xi32>
      tpu.vector_store_idx %arg22[%shift_right_logical3A_602, %and3A_605], %broadcast_in_dim3A_5 {add = true} : memref<80x128xf32, #tpu.memory_space<vmem>>[vector<16xi32>, vector<16xi32>], vector<16xf32>,
      %get3A_606 = arith.constant 16 : index
      %get3A_607 = tpu.vector_load %arg17[%get3A_606] {strides = array<i32>} : memref<80xi32, #tpu.memory_space<vmem>>, vector<16xi32>,
      %shift_right_logical3A_608 = arith.constant 7 : i32
      %shift_right_logical3A_609 = vector.broadcast %shift_right_logical3A_608 : i32 to vector<16xi32>
      %shift_right_logical3A_610 = arith.shrui %get3A_607, %shift_right_logical3A_609 : vector<16xi32>
      %and3A_611 = arith.constant 127 : i32
      %and3A_612 = vector.broadcast %and3A_611 : i32 to vector<16xi32>
      %and3A_613 = arith.andi %get3A_607, %and3A_612 : vector<16xi32>
      tpu.vector_store_idx %arg22[%shift_right_logical3A_610, %and3A_613], %broadcast_in_dim3A_5 {add = true} : memref<80x128xf32, #tpu.memory_space<vmem>>[vector<16xi32>, vector<16xi32>], vector<16xf32>,
      %get3A_614 = arith.constant 32 : index
      %get3A_615 = tpu.vector_load %arg17[%get3A_614] {strides = array<i32>} : memref<80xi32, #tpu.memory_space<vmem>>, vector<16xi32>,
      %shift_right_logical3A_616 = arith.constant 7 : i32
      %shift_right_logical3A_617 = vector.broadcast %shift_right_logical3A_616 : i32 to vector<16xi32>
      %shift_right_logical3A_618 = arith.shrui %get3A_615, %shift_right_logical3A_617 : vector<16xi32>
      %and3A_619 = arith.constant 127 : i32
      %and3A_620 = vector.broadcast %and3A_619 : i32 to vector<16xi32>
      %and3A_621 = arith.andi %get3A_615, %and3A_620 : vector<16xi32>
      tpu.vector_store_idx %arg22[%shift_right_logical3A_618, %and3A_621], %broadcast_in_dim3A_5 {add = true} : memref<80x128xf32, #tpu.memory_space<vmem>>[vector<16xi32>, vector<16xi32>], vector<16xf32>,
      %get3A_622 = arith.constant 48 : index
      %get3A_623 = tpu.vector_load %arg17[%get3A_622] {strides = array<i32>} : memref<80xi32, #tpu.memory_space<vmem>>, vector<16xi32>,
      %shift_right_logical3A_624 = arith.constant 7 : i32
      %shift_right_logical3A_625 = vector.broadcast %shift_right_logical3A_624 : i32 to vector<16xi32>
      %shift_right_logical3A_626 = arith.shrui %get3A_623, %shift_right_logical3A_625 : vector<16xi32>
      %and3A_627 = arith.constant 127 : i32
      %and3A_628 = vector.broadcast %and3A_627 : i32 to vector<16xi32>
      %and3A_629 = arith.andi %get3A_623, %and3A_628 : vector<16xi32>
      tpu.vector_store_idx %arg22[%shift_right_logical3A_626, %and3A_629], %broadcast_in_dim3A_5 {add = true} : memref<80x128xf32, #tpu.memory_space<vmem>>[vector<16xi32>, vector<16xi32>], vector<16xf32>,
      %get3A_630 = arith.constant 64 : index
      %get3A_631 = tpu.vector_load %arg17[%get3A_630] {strides = array<i32>} : memref<80xi32, #tpu.memory_space<vmem>>, vector<16xi32>,
      %shift_right_logical3A_632 = arith.constant 7 : i32
      %shift_right_logical3A_633 = vector.broadcast %shift_right_logical3A_632 : i32 to vector<16xi32>
      %shift_right_logical3A_634 = arith.shrui %get3A_631, %shift_right_logical3A_633 : vector<16xi32>
      %and3A_635 = arith.constant 127 : i32
      %and3A_636 = vector.broadcast %and3A_635 : i32 to vector<16xi32>
      %and3A_637 = arith.andi %get3A_631, %and3A_636 : vector<16xi32>
      tpu.vector_store_idx %arg22[%shift_right_logical3A_634, %and3A_637], %broadcast_in_dim3A_5 {add = true} : memref<80x128xf32, #tpu.memory_space<vmem>>[vector<16xi32>, vector<16xi32>], vector<16xf32>,
      %dma_start3A_638 = arith.constant 0 : i32
      %dma_start3A_639 = arith.constant 0 : i32
      %dma_start3A_640 = tpu.memref_slice %arg24[%dma_start3A_638, %dma_start3A_639] : memref<10240x128xf32, #tpu.memory_space<vmem_shared>> -> memref<10240x128xf32, #tpu.memory_space<vmem_shared>>
      tpu.enqueue_indirect_dma source(%arg20 : memref<80x128xf32, #tpu.memory_space<vmem>>) target(%dma_start3A_640 : memref<10240x128xf32, #tpu.memory_space<vmem_shared>>) offsets(%arg17 : memref<80xi32, #tpu.memory_space<vmem>>) semaphore(%arg27 : memref<!tpu.dma_semaphore, #tpu.memory_space<semaphore_mem>>) {add = true}
      %add3A_641 = arith.constant 3 : i32
      %add3A_642 = arith.addi %add3A_385, %add3A_641 : i32
      %add3A_643 = arith.constant 3 : i32
      %add3A_644 = arith.addi %add3A_385, %add3A_643 : i32
      %add3A_645 = arith.constant 3 : i32
      %add3A_646 = arith.addi %add3A_644, %add3A_645 : i32
      %add3A_647 = arith.constant 3 : i32
      %add3A_648 = arith.addi %add3A_385, %add3A_647 : i32
      %add3A_649 = arith.constant 1 : i32
      %add3A_650 = arith.addi %add3A_648, %add3A_649 : i32
      %dma_wait3A_651 = arith.constant 0 : i32
      %dma_wait3A_652 = arith.constant 0 : i32
      %dma_wait3A_653 = tpu.memref_slice %arg24[%dma_wait3A_651, %dma_wait3A_652] : memref<10240x128xf32, #tpu.memory_space<vmem_shared>> -> memref<80x128xf32, #tpu.memory_space<vmem_shared>>
      %dma_wait3A_654 = arith.constant 0 : i32
      %dma_wait3A_655 = arith.constant 0 : i32
      %dma_wait3A_656 = tpu.memref_slice %arg24[%dma_wait3A_654, %dma_wait3A_655] : memref<10240x128xf32, #tpu.memory_space<vmem_shared>> -> memref<80x128xf32, #tpu.memory_space<vmem_shared>>
      tpu.wait_dma2 semaphore(%arg27 : memref<!tpu.dma_semaphore, #tpu.memory_space<semaphore_mem>>) src(%arg19 : memref<80x128xf32, #tpu.memory_space<vmem>>) dst(%dma_wait3A_656 : memref<80x128xf32, #tpu.memory_space<vmem_shared>>)
      %mul3A_657 = arith.constant 80 : i32
      %mul3A_658 = arith.muli %add3A_646, %mul3A_657 : i32
      %add3A_659 = arith.addi %mul3A_2, %mul3A_658 : i32
      %dma_start3A_660 = tpu.memref_slice %arg3[%add3A_659] : memref<640000xi32, #tpu.memory_space<hbm>> -> memref<80xi32, #tpu.memory_space<hbm>>
      %dma_start3A_661 = tpu.memref_slice %arg3[%add3A_659] : memref<640000xi32, #tpu.memory_space<hbm>> -> memref<80xi32, #tpu.memory_space<hbm>>
      tpu.enqueue_dma source(%dma_start3A_661 : memref<80xi32, #tpu.memory_space<hbm>>) target(%arg9 : memref<80xi32, #tpu.memory_space<vmem>>) target_semaphore(%arg25 : memref<!tpu.dma_semaphore, #tpu.memory_space<semaphore_mem>>)
      %add3A_662 = arith.constant 320000 : i32
      %add3A_663 = arith.addi %add3A_662, %add3A_659 : i32
      %dma_start3A_664 = tpu.memref_slice %arg3[%add3A_663] : memref<640000xi32, #tpu.memory_space<hbm>> -> memref<80xi32, #tpu.memory_space<hbm>>
      %dma_start3A_665 = tpu.memref_slice %arg3[%add3A_663] : memref<640000xi32, #tpu.memory_space<hbm>> -> memref<80xi32, #tpu.memory_space<hbm>>
      tpu.enqueue_dma source(%dma_start3A_665 : memref<80xi32, #tpu.memory_space<hbm>>) target(%arg15 : memref<80xi32, #tpu.memory_space<vmem>>) target_semaphore(%arg25 : memref<!tpu.dma_semaphore, #tpu.memory_space<semaphore_mem>>)
      %dma_wait3A_666 = arith.constant 0 : i32
      %dma_wait3A_667 = tpu.memref_slice %arg3[%dma_wait3A_666] : memref<640000xi32, #tpu.memory_space<hbm>> -> memref<80xi32, #tpu.memory_space<hbm>>
      %dma_wait3A_668 = arith.constant 0 : i32
      %dma_wait3A_669 = tpu.memref_slice %arg3[%dma_wait3A_668] : memref<640000xi32, #tpu.memory_space<hbm>> -> memref<80xi32, #tpu.memory_space<hbm>>
      tpu.wait_dma2 semaphore(%arg25 : memref<!tpu.dma_semaphore, #tpu.memory_space<semaphore_mem>>) src(%dma_wait3A_669 : memref<80xi32, #tpu.memory_space<hbm>>) dst(%arg7 : memref<80xi32, #tpu.memory_space<vmem>>)
      %dma_wait3A_670 = arith.constant 0 : i32
      %dma_wait3A_671 = tpu.memref_slice %arg3[%dma_wait3A_670] : memref<640000xi32, #tpu.memory_space<hbm>> -> memref<80xi32, #tpu.memory_space<hbm>>
      %dma_wait3A_672 = arith.constant 0 : i32
      %dma_wait3A_673 = tpu.memref_slice %arg3[%dma_wait3A_672] : memref<640000xi32, #tpu.memory_space<hbm>> -> memref<80xi32, #tpu.memory_space<hbm>>
      tpu.wait_dma2 semaphore(%arg25 : memref<!tpu.dma_semaphore, #tpu.memory_space<semaphore_mem>>) src(%dma_wait3A_673 : memref<80xi32, #tpu.memory_space<hbm>>) dst(%arg13 : memref<80xi32, #tpu.memory_space<vmem>>)
      %dma_start3A_674 = arith.constant 0 : i32
      %dma_start3A_675 = arith.constant 0 : i32
      %dma_start3A_676 = tpu.memref_slice %arg2[%dma_start3A_674, %dma_start3A_675] : memref<10000x128xf32, #tpu.memory_space<hbm>> -> memref<10000x128xf32, #tpu.memory_space<hbm>>
      tpu.enqueue_indirect_dma source(%dma_start3A_676 : memref<10000x128xf32, #tpu.memory_space<hbm>>) target(%arg19 : memref<80x128xf32, #tpu.memory_space<vmem>>) offsets(%arg7 : memref<80xi32, #tpu.memory_space<vmem>>) semaphore(%arg26 : memref<!tpu.dma_semaphore, #tpu.memory_space<semaphore_mem>>)
      %dma_wait3A_677 = arith.constant 0 : i32
      %dma_wait3A_678 = arith.constant 0 : i32
      %dma_wait3A_679 = tpu.memref_slice %arg2[%dma_wait3A_677, %dma_wait3A_678] : memref<10000x128xf32, #tpu.memory_space<hbm>> -> memref<80x128xf32, #tpu.memory_space<hbm>>
      %dma_wait3A_680 = arith.constant 0 : i32
      %dma_wait3A_681 = arith.constant 0 : i32
      %dma_wait3A_682 = tpu.memref_slice %arg2[%dma_wait3A_680, %dma_wait3A_681] : memref<10000x128xf32, #tpu.memory_space<hbm>> -> memref<80x128xf32, #tpu.memory_space<hbm>>
      tpu.wait_dma2 semaphore(%arg26 : memref<!tpu.dma_semaphore, #tpu.memory_space<semaphore_mem>>) src(%dma_wait3A_682 : memref<80x128xf32, #tpu.memory_space<hbm>>) dst(%arg19 : memref<80x128xf32, #tpu.memory_space<vmem>>)
      %get3A_683 = arith.constant 0 : index
      %get3A_684 = tpu.vector_load %arg18[%get3A_683] {strides = array<i32>} : memref<80xi32, #tpu.memory_space<vmem>>, vector<16xi32>,
      %shift_right_logical3A_685 = arith.constant 7 : i32
      %shift_right_logical3A_686 = vector.broadcast %shift_right_logical3A_685 : i32 to vector<16xi32>
      %shift_right_logical3A_687 = arith.shrui %get3A_684, %shift_right_logical3A_686 : vector<16xi32>
      %and3A_688 = arith.constant 127 : i32
      %and3A_689 = vector.broadcast %and3A_688 : i32 to vector<16xi32>
      %and3A_690 = arith.andi %get3A_684, %and3A_689 : vector<16xi32>
      tpu.vector_store_idx %arg22[%shift_right_logical3A_687, %and3A_690], %broadcast_in_dim3A_5 {add = true} : memref<80x128xf32, #tpu.memory_space<vmem>>[vector<16xi32>, vector<16xi32>], vector<16xf32>,
      %get3A_691 = arith.constant 16 : index
      %get3A_692 = tpu.vector_load %arg18[%get3A_691] {strides = array<i32>} : memref<80xi32, #tpu.memory_space<vmem>>, vector<16xi32>,
      %shift_right_logical3A_693 = arith.constant 7 : i32
      %shift_right_logical3A_694 = vector.broadcast %shift_right_logical3A_693 : i32 to vector<16xi32>
      %shift_right_logical3A_695 = arith.shrui %get3A_692, %shift_right_logical3A_694 : vector<16xi32>
      %and3A_696 = arith.constant 127 : i32
      %and3A_697 = vector.broadcast %and3A_696 : i32 to vector<16xi32>
      %and3A_698 = arith.andi %get3A_692, %and3A_697 : vector<16xi32>
      tpu.vector_store_idx %arg22[%shift_right_logical3A_695, %and3A_698], %broadcast_in_dim3A_5 {add = true} : memref<80x128xf32, #tpu.memory_space<vmem>>[vector<16xi32>, vector<16xi32>], vector<16xf32>,
      %get3A_699 = arith.constant 32 : index
      %get3A_700 = tpu.vector_load %arg18[%get3A_699] {strides = array<i32>} : memref<80xi32, #tpu.memory_space<vmem>>, vector<16xi32>,
      %shift_right_logical3A_701 = arith.constant 7 : i32
      %shift_right_logical3A_702 = vector.broadcast %shift_right_logical3A_701 : i32 to vector<16xi32>
      %shift_right_logical3A_703 = arith.shrui %get3A_700, %shift_right_logical3A_702 : vector<16xi32>
      %and3A_704 = arith.constant 127 : i32
      %and3A_705 = vector.broadcast %and3A_704 : i32 to vector<16xi32>
      %and3A_706 = arith.andi %get3A_700, %and3A_705 : vector<16xi32>
      tpu.vector_store_idx %arg22[%shift_right_logical3A_703, %and3A_706], %broadcast_in_dim3A_5 {add = true} : memref<80x128xf32, #tpu.memory_space<vmem>>[vector<16xi32>, vector<16xi32>], vector<16xf32>,
      %get3A_707 = arith.constant 48 : index
      %get3A_708 = tpu.vector_load %arg18[%get3A_707] {strides = array<i32>} : memref<80xi32, #tpu.memory_space<vmem>>, vector<16xi32>,
      %shift_right_logical3A_709 = arith.constant 7 : i32
      %shift_right_logical3A_710 = vector.broadcast %shift_right_logical3A_709 : i32 to vector<16xi32>
      %shift_right_logical3A_711 = arith.shrui %get3A_708, %shift_right_logical3A_710 : vector<16xi32>
      %and3A_712 = arith.constant 127 : i32
      %and3A_713 = vector.broadcast %and3A_712 : i32 to vector<16xi32>
      %and3A_714 = arith.andi %get3A_708, %and3A_713 : vector<16xi32>
      tpu.vector_store_idx %arg22[%shift_right_logical3A_711, %and3A_714], %broadcast_in_dim3A_5 {add = true} : memref<80x128xf32, #tpu.memory_space<vmem>>[vector<16xi32>, vector<16xi32>], vector<16xf32>,
      %get3A_715 = arith.constant 64 : index
      %get3A_716 = tpu.vector_load %arg18[%get3A_715] {strides = array<i32>} : memref<80xi32, #tpu.memory_space<vmem>>, vector<16xi32>,
      %shift_right_logical3A_717 = arith.constant 7 : i32
      %shift_right_logical3A_718 = vector.broadcast %shift_right_logical3A_717 : i32 to vector<16xi32>
      %shift_right_logical3A_719 = arith.shrui %get3A_716, %shift_right_logical3A_718 : vector<16xi32>
      %and3A_720 = arith.constant 127 : i32
      %and3A_721 = vector.broadcast %and3A_720 : i32 to vector<16xi32>
      %and3A_722 = arith.andi %get3A_716, %and3A_721 : vector<16xi32>
      tpu.vector_store_idx %arg22[%shift_right_logical3A_719, %and3A_722], %broadcast_in_dim3A_5 {add = true} : memref<80x128xf32, #tpu.memory_space<vmem>>[vector<16xi32>, vector<16xi32>], vector<16xf32>,
      %dma_start3A_723 = arith.constant 0 : i32
      %dma_start3A_724 = arith.constant 0 : i32
      %dma_start3A_725 = tpu.memref_slice %arg24[%dma_start3A_723, %dma_start3A_724] : memref<10240x128xf32, #tpu.memory_space<vmem_shared>> -> memref<10240x128xf32, #tpu.memory_space<vmem_shared>>
      tpu.enqueue_indirect_dma source(%arg21 : memref<80x128xf32, #tpu.memory_space<vmem>>) target(%dma_start3A_725 : memref<10240x128xf32, #tpu.memory_space<vmem_shared>>) offsets(%arg18 : memref<80xi32, #tpu.memory_space<vmem>>) semaphore(%arg27 : memref<!tpu.dma_semaphore, #tpu.memory_space<semaphore_mem>>) {add = true}
      %add3A_726 = arith.constant 4 : i32
      %add3A_727 = arith.addi %add3A_385, %add3A_726 : i32
      %add3A_728 = arith.constant 4 : i32
      %add3A_729 = arith.addi %add3A_385, %add3A_728 : i32
      %add3A_730 = arith.constant 3 : i32
      %add3A_731 = arith.addi %add3A_729, %add3A_730 : i32
      %add3A_732 = arith.constant 4 : i32
      %add3A_733 = arith.addi %add3A_385, %add3A_732 : i32
      %add3A_734 = arith.constant 1 : i32
      %add3A_735 = arith.addi %add3A_733, %add3A_734 : i32
      %dma_wait3A_736 = arith.constant 0 : i32
      %dma_wait3A_737 = arith.constant 0 : i32
      %dma_wait3A_738 = tpu.memref_slice %arg24[%dma_wait3A_736, %dma_wait3A_737] : memref<10240x128xf32, #tpu.memory_space<vmem_shared>> -> memref<80x128xf32, #tpu.memory_space<vmem_shared>>
      %dma_wait3A_739 = arith.constant 0 : i32
      %dma_wait3A_740 = arith.constant 0 : i32
      %dma_wait3A_741 = tpu.memref_slice %arg24[%dma_wait3A_739, %dma_wait3A_740] : memref<10240x128xf32, #tpu.memory_space<vmem_shared>> -> memref<80x128xf32, #tpu.memory_space<vmem_shared>>
      tpu.wait_dma2 semaphore(%arg27 : memref<!tpu.dma_semaphore, #tpu.memory_space<semaphore_mem>>) src(%arg19 : memref<80x128xf32, #tpu.memory_space<vmem>>) dst(%dma_wait3A_741 : memref<80x128xf32, #tpu.memory_space<vmem_shared>>)
      %mul3A_742 = arith.constant 80 : i32
      %mul3A_743 = arith.muli %add3A_731, %mul3A_742 : i32
      %add3A_744 = arith.addi %mul3A_2, %mul3A_743 : i32
      %dma_start3A_745 = tpu.memref_slice %arg3[%add3A_744] : memref<640000xi32, #tpu.memory_space<hbm>> -> memref<80xi32, #tpu.memory_space<hbm>>
      %dma_start3A_746 = tpu.memref_slice %arg3[%add3A_744] : memref<640000xi32, #tpu.memory_space<hbm>> -> memref<80xi32, #tpu.memory_space<hbm>>
      tpu.enqueue_dma source(%dma_start3A_746 : memref<80xi32, #tpu.memory_space<hbm>>) target(%arg10 : memref<80xi32, #tpu.memory_space<vmem>>) target_semaphore(%arg25 : memref<!tpu.dma_semaphore, #tpu.memory_space<semaphore_mem>>)
      %add3A_747 = arith.constant 320000 : i32
      %add3A_748 = arith.addi %add3A_747, %add3A_744 : i32
      %dma_start3A_749 = tpu.memref_slice %arg3[%add3A_748] : memref<640000xi32, #tpu.memory_space<hbm>> -> memref<80xi32, #tpu.memory_space<hbm>>
      %dma_start3A_750 = tpu.memref_slice %arg3[%add3A_748] : memref<640000xi32, #tpu.memory_space<hbm>> -> memref<80xi32, #tpu.memory_space<hbm>>
      tpu.enqueue_dma source(%dma_start3A_750 : memref<80xi32, #tpu.memory_space<hbm>>) target(%arg16 : memref<80xi32, #tpu.memory_space<vmem>>) target_semaphore(%arg25 : memref<!tpu.dma_semaphore, #tpu.memory_space<semaphore_mem>>)
      %dma_wait3A_751 = arith.constant 0 : i32
      %dma_wait3A_752 = tpu.memref_slice %arg3[%dma_wait3A_751] : memref<640000xi32, #tpu.memory_space<hbm>> -> memref<80xi32, #tpu.memory_space<hbm>>
      %dma_wait3A_753 = arith.constant 0 : i32
      %dma_wait3A_754 = tpu.memref_slice %arg3[%dma_wait3A_753] : memref<640000xi32, #tpu.memory_space<hbm>> -> memref<80xi32, #tpu.memory_space<hbm>>
      tpu.wait_dma2 semaphore(%arg25 : memref<!tpu.dma_semaphore, #tpu.memory_space<semaphore_mem>>) src(%dma_wait3A_754 : memref<80xi32, #tpu.memory_space<hbm>>) dst(%arg7 : memref<80xi32, #tpu.memory_space<vmem>>)
      %dma_wait3A_755 = arith.constant 0 : i32
      %dma_wait3A_756 = tpu.memref_slice %arg3[%dma_wait3A_755] : memref<640000xi32, #tpu.memory_space<hbm>> -> memref<80xi32, #tpu.memory_space<hbm>>
      %dma_wait3A_757 = arith.constant 0 : i32
      %dma_wait3A_758 = tpu.memref_slice %arg3[%dma_wait3A_757] : memref<640000xi32, #tpu.memory_space<hbm>> -> memref<80xi32, #tpu.memory_space<hbm>>
      tpu.wait_dma2 semaphore(%arg25 : memref<!tpu.dma_semaphore, #tpu.memory_space<semaphore_mem>>) src(%dma_wait3A_758 : memref<80xi32, #tpu.memory_space<hbm>>) dst(%arg13 : memref<80xi32, #tpu.memory_space<vmem>>)
      %dma_start3A_759 = arith.constant 0 : i32
      %dma_start3A_760 = arith.constant 0 : i32
      %dma_start3A_761 = tpu.memref_slice %arg2[%dma_start3A_759, %dma_start3A_760] : memref<10000x128xf32, #tpu.memory_space<hbm>> -> memref<10000x128xf32, #tpu.memory_space<hbm>>
      tpu.enqueue_indirect_dma source(%dma_start3A_761 : memref<10000x128xf32, #tpu.memory_space<hbm>>) target(%arg20 : memref<80x128xf32, #tpu.memory_space<vmem>>) offsets(%arg8 : memref<80xi32, #tpu.memory_space<vmem>>) semaphore(%arg26 : memref<!tpu.dma_semaphore, #tpu.memory_space<semaphore_mem>>)
      %dma_wait3A_762 = arith.constant 0 : i32
      %dma_wait3A_763 = arith.constant 0 : i32
      %dma_wait3A_764 = tpu.memref_slice %arg2[%dma_wait3A_762, %dma_wait3A_763] : memref<10000x128xf32, #tpu.memory_space<hbm>> -> memref<80x128xf32, #tpu.memory_space<hbm>>
      %dma_wait3A_765 = arith.constant 0 : i32
      %dma_wait3A_766 = arith.constant 0 : i32
      %dma_wait3A_767 = tpu.memref_slice %arg2[%dma_wait3A_765, %dma_wait3A_766] : memref<10000x128xf32, #tpu.memory_space<hbm>> -> memref<80x128xf32, #tpu.memory_space<hbm>>
      tpu.wait_dma2 semaphore(%arg26 : memref<!tpu.dma_semaphore, #tpu.memory_space<semaphore_mem>>) src(%dma_wait3A_767 : memref<80x128xf32, #tpu.memory_space<hbm>>) dst(%arg19 : memref<80x128xf32, #tpu.memory_space<vmem>>)
      %get3A_768 = arith.constant 0 : index
      %get3A_769 = tpu.vector_load %arg13[%get3A_768] {strides = array<i32>} : memref<80xi32, #tpu.memory_space<vmem>>, vector<16xi32>,
      %shift_right_logical3A_770 = arith.constant 7 : i32
      %shift_right_logical3A_771 = vector.broadcast %shift_right_logical3A_770 : i32 to vector<16xi32>
      %shift_right_logical3A_772 = arith.shrui %get3A_769, %shift_right_logical3A_771 : vector<16xi32>
      %and3A_773 = arith.constant 127 : i32
      %and3A_774 = vector.broadcast %and3A_773 : i32 to vector<16xi32>
      %and3A_775 = arith.andi %get3A_769, %and3A_774 : vector<16xi32>
      tpu.vector_store_idx %arg22[%shift_right_logical3A_772, %and3A_775], %broadcast_in_dim3A_5 {add = true} : memref<80x128xf32, #tpu.memory_space<vmem>>[vector<16xi32>, vector<16xi32>], vector<16xf32>,
      %get3A_776 = arith.constant 16 : index
      %get3A_777 = tpu.vector_load %arg13[%get3A_776] {strides = array<i32>} : memref<80xi32, #tpu.memory_space<vmem>>, vector<16xi32>,
      %shift_right_logical3A_778 = arith.constant 7 : i32
      %shift_right_logical3A_779 = vector.broadcast %shift_right_logical3A_778 : i32 to vector<16xi32>
      %shift_right_logical3A_780 = arith.shrui %get3A_777, %shift_right_logical3A_779 : vector<16xi32>
      %and3A_781 = arith.constant 127 : i32
      %and3A_782 = vector.broadcast %and3A_781 : i32 to vector<16xi32>
      %and3A_783 = arith.andi %get3A_777, %and3A_782 : vector<16xi32>
      tpu.vector_store_idx %arg22[%shift_right_logical3A_780, %and3A_783], %broadcast_in_dim3A_5 {add = true} : memref<80x128xf32, #tpu.memory_space<vmem>>[vector<16xi32>, vector<16xi32>], vector<16xf32>,
      %get3A_784 = arith.constant 32 : index
      %get3A_785 = tpu.vector_load %arg13[%get3A_784] {strides = array<i32>} : memref<80xi32, #tpu.memory_space<vmem>>, vector<16xi32>,
      %shift_right_logical3A_786 = arith.constant 7 : i32
      %shift_right_logical3A_787 = vector.broadcast %shift_right_logical3A_786 : i32 to vector<16xi32>
      %shift_right_logical3A_788 = arith.shrui %get3A_785, %shift_right_logical3A_787 : vector<16xi32>
      %and3A_789 = arith.constant 127 : i32
      %and3A_790 = vector.broadcast %and3A_789 : i32 to vector<16xi32>
      %and3A_791 = arith.andi %get3A_785, %and3A_790 : vector<16xi32>
      tpu.vector_store_idx %arg22[%shift_right_logical3A_788, %and3A_791], %broadcast_in_dim3A_5 {add = true} : memref<80x128xf32, #tpu.memory_space<vmem>>[vector<16xi32>, vector<16xi32>], vector<16xf32>,
      %get3A_792 = arith.constant 48 : index
      %get3A_793 = tpu.vector_load %arg13[%get3A_792] {strides = array<i32>} : memref<80xi32, #tpu.memory_space<vmem>>, vector<16xi32>,
      %shift_right_logical3A_794 = arith.constant 7 : i32
      %shift_right_logical3A_795 = vector.broadcast %shift_right_logical3A_794 : i32 to vector<16xi32>
      %shift_right_logical3A_796 = arith.shrui %get3A_793, %shift_right_logical3A_795 : vector<16xi32>
      %and3A_797 = arith.constant 127 : i32
      %and3A_798 = vector.broadcast %and3A_797 : i32 to vector<16xi32>
      %and3A_799 = arith.andi %get3A_793, %and3A_798 : vector<16xi32>
      tpu.vector_store_idx %arg22[%shift_right_logical3A_796, %and3A_799], %broadcast_in_dim3A_5 {add = true} : memref<80x128xf32, #tpu.memory_space<vmem>>[vector<16xi32>, vector<16xi32>], vector<16xf32>,
      %get3A_800 = arith.constant 64 : index
      %get3A_801 = tpu.vector_load %arg13[%get3A_800] {strides = array<i32>} : memref<80xi32, #tpu.memory_space<vmem>>, vector<16xi32>,
      %shift_right_logical3A_802 = arith.constant 7 : i32
      %shift_right_logical3A_803 = vector.broadcast %shift_right_logical3A_802 : i32 to vector<16xi32>
      %shift_right_logical3A_804 = arith.shrui %get3A_801, %shift_right_logical3A_803 : vector<16xi32>
      %and3A_805 = arith.constant 127 : i32
      %and3A_806 = vector.broadcast %and3A_805 : i32 to vector<16xi32>
      %and3A_807 = arith.andi %get3A_801, %and3A_806 : vector<16xi32>
      tpu.vector_store_idx %arg22[%shift_right_logical3A_804, %and3A_807], %broadcast_in_dim3A_5 {add = true} : memref<80x128xf32, #tpu.memory_space<vmem>>[vector<16xi32>, vector<16xi32>], vector<16xf32>,
      %dma_start3A_808 = arith.constant 0 : i32
      %dma_start3A_809 = arith.constant 0 : i32
      %dma_start3A_810 = tpu.memref_slice %arg24[%dma_start3A_808, %dma_start3A_809] : memref<10240x128xf32, #tpu.memory_space<vmem_shared>> -> memref<10240x128xf32, #tpu.memory_space<vmem_shared>>
      tpu.enqueue_indirect_dma source(%arg19 : memref<80x128xf32, #tpu.memory_space<vmem>>) target(%dma_start3A_810 : memref<10240x128xf32, #tpu.memory_space<vmem_shared>>) offsets(%arg13 : memref<80xi32, #tpu.memory_space<vmem>>) semaphore(%arg27 : memref<!tpu.dma_semaphore, #tpu.memory_space<semaphore_mem>>) {add = true}
      %add3A_811 = arith.constant 5 : i32
      %add3A_812 = arith.addi %add3A_385, %add3A_811 : i32
      %add3A_813 = arith.constant 5 : i32
      %add3A_814 = arith.addi %add3A_385, %add3A_813 : i32
      %add3A_815 = arith.constant 3 : i32
      %add3A_816 = arith.addi %add3A_814, %add3A_815 : i32
      %add3A_817 = arith.constant 5 : i32
      %add3A_818 = arith.addi %add3A_385, %add3A_817 : i32
      %add3A_819 = arith.constant 1 : i32
      %add3A_820 = arith.addi %add3A_818, %add3A_819 : i32
      %dma_wait3A_821 = arith.constant 0 : i32
      %dma_wait3A_822 = arith.constant 0 : i32
      %dma_wait3A_823 = tpu.memref_slice %arg24[%dma_wait3A_821, %dma_wait3A_822] : memref<10240x128xf32, #tpu.memory_space<vmem_shared>> -> memref<80x128xf32, #tpu.memory_space<vmem_shared>>
      %dma_wait3A_824 = arith.constant 0 : i32
      %dma_wait3A_825 = arith.constant 0 : i32
      %dma_wait3A_826 = tpu.memref_slice %arg24[%dma_wait3A_824, %dma_wait3A_825] : memref<10240x128xf32, #tpu.memory_space<vmem_shared>> -> memref<80x128xf32, #tpu.memory_space<vmem_shared>>
      tpu.wait_dma2 semaphore(%arg27 : memref<!tpu.dma_semaphore, #tpu.memory_space<semaphore_mem>>) src(%arg19 : memref<80x128xf32, #tpu.memory_space<vmem>>) dst(%dma_wait3A_826 : memref<80x128xf32, #tpu.memory_space<vmem_shared>>)
      %mul3A_827 = arith.constant 80 : i32
      %mul3A_828 = arith.muli %add3A_816, %mul3A_827 : i32
      %add3A_829 = arith.addi %mul3A_2, %mul3A_828 : i32
      %dma_start3A_830 = tpu.memref_slice %arg3[%add3A_829] : memref<640000xi32, #tpu.memory_space<hbm>> -> memref<80xi32, #tpu.memory_space<hbm>>
      %dma_start3A_831 = tpu.memref_slice %arg3[%add3A_829] : memref<640000xi32, #tpu.memory_space<hbm>> -> memref<80xi32, #tpu.memory_space<hbm>>
      tpu.enqueue_dma source(%dma_start3A_831 : memref<80xi32, #tpu.memory_space<hbm>>) target(%arg11 : memref<80xi32, #tpu.memory_space<vmem>>) target_semaphore(%arg25 : memref<!tpu.dma_semaphore, #tpu.memory_space<semaphore_mem>>)
      %add3A_832 = arith.constant 320000 : i32
      %add3A_833 = arith.addi %add3A_832, %add3A_829 : i32
      %dma_start3A_834 = tpu.memref_slice %arg3[%add3A_833] : memref<640000xi32, #tpu.memory_space<hbm>> -> memref<80xi32, #tpu.memory_space<hbm>>
      %dma_start3A_835 = tpu.memref_slice %arg3[%add3A_833] : memref<640000xi32, #tpu.memory_space<hbm>> -> memref<80xi32, #tpu.memory_space<hbm>>
      tpu.enqueue_dma source(%dma_start3A_835 : memref<80xi32, #tpu.memory_space<hbm>>) target(%arg17 : memref<80xi32, #tpu.memory_space<vmem>>) target_semaphore(%arg25 : memref<!tpu.dma_semaphore, #tpu.memory_space<semaphore_mem>>)
      %dma_wait3A_836 = arith.constant 0 : i32
      %dma_wait3A_837 = tpu.memref_slice %arg3[%dma_wait3A_836] : memref<640000xi32, #tpu.memory_space<hbm>> -> memref<80xi32, #tpu.memory_space<hbm>>
      %dma_wait3A_838 = arith.constant 0 : i32
      %dma_wait3A_839 = tpu.memref_slice %arg3[%dma_wait3A_838] : memref<640000xi32, #tpu.memory_space<hbm>> -> memref<80xi32, #tpu.memory_space<hbm>>
      tpu.wait_dma2 semaphore(%arg25 : memref<!tpu.dma_semaphore, #tpu.memory_space<semaphore_mem>>) src(%dma_wait3A_839 : memref<80xi32, #tpu.memory_space<hbm>>) dst(%arg7 : memref<80xi32, #tpu.memory_space<vmem>>)
      %dma_wait3A_840 = arith.constant 0 : i32
      %dma_wait3A_841 = tpu.memref_slice %arg3[%dma_wait3A_840] : memref<640000xi32, #tpu.memory_space<hbm>> -> memref<80xi32, #tpu.memory_space<hbm>>
      %dma_wait3A_842 = arith.constant 0 : i32
      %dma_wait3A_843 = tpu.memref_slice %arg3[%dma_wait3A_842] : memref<640000xi32, #tpu.memory_space<hbm>> -> memref<80xi32, #tpu.memory_space<hbm>>
      tpu.wait_dma2 semaphore(%arg25 : memref<!tpu.dma_semaphore, #tpu.memory_space<semaphore_mem>>) src(%dma_wait3A_843 : memref<80xi32, #tpu.memory_space<hbm>>) dst(%arg13 : memref<80xi32, #tpu.memory_space<vmem>>)
      %dma_start3A_844 = arith.constant 0 : i32
      %dma_start3A_845 = arith.constant 0 : i32
      %dma_start3A_846 = tpu.memref_slice %arg2[%dma_start3A_844, %dma_start3A_845] : memref<10000x128xf32, #tpu.memory_space<hbm>> -> memref<10000x128xf32, #tpu.memory_space<hbm>>
      tpu.enqueue_indirect_dma source(%dma_start3A_846 : memref<10000x128xf32, #tpu.memory_space<hbm>>) target(%arg21 : memref<80x128xf32, #tpu.memory_space<vmem>>) offsets(%arg9 : memref<80xi32, #tpu.memory_space<vmem>>) semaphore(%arg26 : memref<!tpu.dma_semaphore, #tpu.memory_space<semaphore_mem>>)
      %dma_wait3A_847 = arith.constant 0 : i32
      %dma_wait3A_848 = arith.constant 0 : i32
      %dma_wait3A_849 = tpu.memref_slice %arg2[%dma_wait3A_847, %dma_wait3A_848] : memref<10000x128xf32, #tpu.memory_space<hbm>> -> memref<80x128xf32, #tpu.memory_space<hbm>>
      %dma_wait3A_850 = arith.constant 0 : i32
      %dma_wait3A_851 = arith.constant 0 : i32
      %dma_wait3A_852 = tpu.memref_slice %arg2[%dma_wait3A_850, %dma_wait3A_851] : memref<10000x128xf32, #tpu.memory_space<hbm>> -> memref<80x128xf32, #tpu.memory_space<hbm>>
      tpu.wait_dma2 semaphore(%arg26 : memref<!tpu.dma_semaphore, #tpu.memory_space<semaphore_mem>>) src(%dma_wait3A_852 : memref<80x128xf32, #tpu.memory_space<hbm>>) dst(%arg19 : memref<80x128xf32, #tpu.memory_space<vmem>>)
      %get3A_853 = arith.constant 0 : index
      %get3A_854 = tpu.vector_load %arg14[%get3A_853] {strides = array<i32>} : memref<80xi32, #tpu.memory_space<vmem>>, vector<16xi32>,
      %shift_right_logical3A_855 = arith.constant 7 : i32
      %shift_right_logical3A_856 = vector.broadcast %shift_right_logical3A_855 : i32 to vector<16xi32>
      %shift_right_logical3A_857 = arith.shrui %get3A_854, %shift_right_logical3A_856 : vector<16xi32>
      %and3A_858 = arith.constant 127 : i32
      %and3A_859 = vector.broadcast %and3A_858 : i32 to vector<16xi32>
      %and3A_860 = arith.andi %get3A_854, %and3A_859 : vector<16xi32>
      tpu.vector_store_idx %arg22[%shift_right_logical3A_857, %and3A_860], %broadcast_in_dim3A_5 {add = true} : memref<80x128xf32, #tpu.memory_space<vmem>>[vector<16xi32>, vector<16xi32>], vector<16xf32>,
      %get3A_861 = arith.constant 16 : index
      %get3A_862 = tpu.vector_load %arg14[%get3A_861] {strides = array<i32>} : memref<80xi32, #tpu.memory_space<vmem>>, vector<16xi32>,
      %shift_right_logical3A_863 = arith.constant 7 : i32
      %shift_right_logical3A_864 = vector.broadcast %shift_right_logical3A_863 : i32 to vector<16xi32>
      %shift_right_logical3A_865 = arith.shrui %get3A_862, %shift_right_logical3A_864 : vector<16xi32>
      %and3A_866 = arith.constant 127 : i32
      %and3A_867 = vector.broadcast %and3A_866 : i32 to vector<16xi32>
      %and3A_868 = arith.andi %get3A_862, %and3A_867 : vector<16xi32>
      tpu.vector_store_idx %arg22[%shift_right_logical3A_865, %and3A_868], %broadcast_in_dim3A_5 {add = true} : memref<80x128xf32, #tpu.memory_space<vmem>>[vector<16xi32>, vector<16xi32>], vector<16xf32>,
      %get3A_869 = arith.constant 32 : index
      %get3A_870 = tpu.vector_load %arg14[%get3A_869] {strides = array<i32>} : memref<80xi32, #tpu.memory_space<vmem>>, vector<16xi32>,
      %shift_right_logical3A_871 = arith.constant 7 : i32
      %shift_right_logical3A_872 = vector.broadcast %shift_right_logical3A_871 : i32 to vector<16xi32>
      %shift_right_logical3A_873 = arith.shrui %get3A_870, %shift_right_logical3A_872 : vector<16xi32>
      %and3A_874 = arith.constant 127 : i32
      %and3A_875 = vector.broadcast %and3A_874 : i32 to vector<16xi32>
      %and3A_876 = arith.andi %get3A_870, %and3A_875 : vector<16xi32>
      tpu.vector_store_idx %arg22[%shift_right_logical3A_873, %and3A_876], %broadcast_in_dim3A_5 {add = true} : memref<80x128xf32, #tpu.memory_space<vmem>>[vector<16xi32>, vector<16xi32>], vector<16xf32>,
      %get3A_877 = arith.constant 48 : index
      %get3A_878 = tpu.vector_load %arg14[%get3A_877] {strides = array<i32>} : memref<80xi32, #tpu.memory_space<vmem>>, vector<16xi32>,
      %shift_right_logical3A_879 = arith.constant 7 : i32
      %shift_right_logical3A_880 = vector.broadcast %shift_right_logical3A_879 : i32 to vector<16xi32>
      %shift_right_logical3A_881 = arith.shrui %get3A_878, %shift_right_logical3A_880 : vector<16xi32>
      %and3A_882 = arith.constant 127 : i32
      %and3A_883 = vector.broadcast %and3A_882 : i32 to vector<16xi32>
      %and3A_884 = arith.andi %get3A_878, %and3A_883 : vector<16xi32>
      tpu.vector_store_idx %arg22[%shift_right_logical3A_881, %and3A_884], %broadcast_in_dim3A_5 {add = true} : memref<80x128xf32, #tpu.memory_space<vmem>>[vector<16xi32>, vector<16xi32>], vector<16xf32>,
      %get3A_885 = arith.constant 64 : index
      %get3A_886 = tpu.vector_load %arg14[%get3A_885] {strides = array<i32>} : memref<80xi32, #tpu.memory_space<vmem>>, vector<16xi32>,
      %shift_right_logical3A_887 = arith.constant 7 : i32
      %shift_right_logical3A_888 = vector.broadcast %shift_right_logical3A_887 : i32 to vector<16xi32>
      %shift_right_logical3A_889 = arith.shrui %get3A_886, %shift_right_logical3A_888 : vector<16xi32>
      %and3A_890 = arith.constant 127 : i32
      %and3A_891 = vector.broadcast %and3A_890 : i32 to vector<16xi32>
      %and3A_892 = arith.andi %get3A_886, %and3A_891 : vector<16xi32>
      tpu.vector_store_idx %arg22[%shift_right_logical3A_889, %and3A_892], %broadcast_in_dim3A_5 {add = true} : memref<80x128xf32, #tpu.memory_space<vmem>>[vector<16xi32>, vector<16xi32>], vector<16xf32>,
      %dma_start3A_893 = arith.constant 0 : i32
      %dma_start3A_894 = arith.constant 0 : i32
      %dma_start3A_895 = tpu.memref_slice %arg24[%dma_start3A_893, %dma_start3A_894] : memref<10240x128xf32, #tpu.memory_space<vmem_shared>> -> memref<10240x128xf32, #tpu.memory_space<vmem_shared>>
      tpu.enqueue_indirect_dma source(%arg20 : memref<80x128xf32, #tpu.memory_space<vmem>>) target(%dma_start3A_895 : memref<10240x128xf32, #tpu.memory_space<vmem_shared>>) offsets(%arg14 : memref<80xi32, #tpu.memory_space<vmem>>) semaphore(%arg27 : memref<!tpu.dma_semaphore, #tpu.memory_space<semaphore_mem>>) {add = true}
    }
    %scan3A_184 = arith.constant 20 : i32
    %dma_wait3A_185 = arith.constant 0 : i32
    %dma_wait3A_186 = arith.constant 0 : i32
    %dma_wait3A_187 = tpu.memref_slice %arg24[%dma_wait3A_185, %dma_wait3A_186] : memref<10240x128xf32, #tpu.memory_space<vmem_shared>> -> memref<80x128xf32, #tpu.memory_space<vmem_shared>>
    %dma_wait3A_188 = arith.constant 0 : i32
    %dma_wait3A_189 = arith.constant 0 : i32
    %dma_wait3A_190 = tpu.memref_slice %arg24[%dma_wait3A_188, %dma_wait3A_189] : memref<10240x128xf32, #tpu.memory_space<vmem_shared>> -> memref<80x128xf32, #tpu.memory_space<vmem_shared>>
    tpu.wait_dma2 semaphore(%arg27 : memref<!tpu.dma_semaphore, #tpu.memory_space<semaphore_mem>>) src(%arg19 : memref<80x128xf32, #tpu.memory_space<vmem>>) dst(%dma_wait3A_190 : memref<80x128xf32, #tpu.memory_space<vmem_shared>>)
    %dma_wait3A_191 = arith.constant 0 : i32
    %dma_wait3A_192 = tpu.memref_slice %arg3[%dma_wait3A_191] : memref<640000xi32, #tpu.memory_space<hbm>> -> memref<80xi32, #tpu.memory_space<hbm>>
    %dma_wait3A_193 = arith.constant 0 : i32
    %dma_wait3A_194 = tpu.memref_slice %arg3[%dma_wait3A_193] : memref<640000xi32, #tpu.memory_space<hbm>> -> memref<80xi32, #tpu.memory_space<hbm>>
    tpu.wait_dma2 semaphore(%arg25 : memref<!tpu.dma_semaphore, #tpu.memory_space<semaphore_mem>>) src(%dma_wait3A_194 : memref<80xi32, #tpu.memory_space<hbm>>) dst(%arg7 : memref<80xi32, #tpu.memory_space<vmem>>)
    %dma_wait3A_195 = arith.constant 0 : i32
    %dma_wait3A_196 = tpu.memref_slice %arg3[%dma_wait3A_195] : memref<640000xi32, #tpu.memory_space<hbm>> -> memref<80xi32, #tpu.memory_space<hbm>>
    %dma_wait3A_197 = arith.constant 0 : i32
    %dma_wait3A_198 = tpu.memref_slice %arg3[%dma_wait3A_197] : memref<640000xi32, #tpu.memory_space<hbm>> -> memref<80xi32, #tpu.memory_space<hbm>>
    tpu.wait_dma2 semaphore(%arg25 : memref<!tpu.dma_semaphore, #tpu.memory_space<semaphore_mem>>) src(%dma_wait3A_198 : memref<80xi32, #tpu.memory_space<hbm>>) dst(%arg13 : memref<80xi32, #tpu.memory_space<vmem>>)
    %dma_start3A_199 = arith.constant 0 : i32
    %dma_start3A_200 = arith.constant 0 : i32
    %dma_start3A_201 = tpu.memref_slice %arg2[%dma_start3A_199, %dma_start3A_200] : memref<10000x128xf32, #tpu.memory_space<hbm>> -> memref<10000x128xf32, #tpu.memory_space<hbm>>
    tpu.enqueue_indirect_dma source(%dma_start3A_201 : memref<10000x128xf32, #tpu.memory_space<hbm>>) target(%arg19 : memref<80x128xf32, #tpu.memory_space<vmem>>) offsets(%arg10 : memref<80xi32, #tpu.memory_space<vmem>>) semaphore(%arg26 : memref<!tpu.dma_semaphore, #tpu.memory_space<semaphore_mem>>)
    %dma_wait3A_202 = arith.constant 0 : i32
    %dma_wait3A_203 = arith.constant 0 : i32
    %dma_wait3A_204 = tpu.memref_slice %arg2[%dma_wait3A_202, %dma_wait3A_203] : memref<10000x128xf32, #tpu.memory_space<hbm>> -> memref<80x128xf32, #tpu.memory_space<hbm>>
    %dma_wait3A_205 = arith.constant 0 : i32
    %dma_wait3A_206 = arith.constant 0 : i32
    %dma_wait3A_207 = tpu.memref_slice %arg2[%dma_wait3A_205, %dma_wait3A_206] : memref<10000x128xf32, #tpu.memory_space<hbm>> -> memref<80x128xf32, #tpu.memory_space<hbm>>
    tpu.wait_dma2 semaphore(%arg26 : memref<!tpu.dma_semaphore, #tpu.memory_space<semaphore_mem>>) src(%dma_wait3A_207 : memref<80x128xf32, #tpu.memory_space<hbm>>) dst(%arg19 : memref<80x128xf32, #tpu.memory_space<vmem>>)
    %get3A_208 = arith.constant 0 : index
    %get3A_209 = tpu.vector_load %arg15[%get3A_208] {strides = array<i32>} : memref<80xi32, #tpu.memory_space<vmem>>, vector<16xi32>,
    %shift_right_logical3A_210 = arith.constant 7 : i32
    %shift_right_logical3A_211 = vector.broadcast %shift_right_logical3A_210 : i32 to vector<16xi32>
    %shift_right_logical3A_212 = arith.shrui %get3A_209, %shift_right_logical3A_211 : vector<16xi32>
    %and3A_213 = arith.constant 127 : i32
    %and3A_214 = vector.broadcast %and3A_213 : i32 to vector<16xi32>
    %and3A_215 = arith.andi %get3A_209, %and3A_214 : vector<16xi32>
    tpu.vector_store_idx %arg22[%shift_right_logical3A_212, %and3A_215], %broadcast_in_dim3A_5 {add = true} : memref<80x128xf32, #tpu.memory_space<vmem>>[vector<16xi32>, vector<16xi32>], vector<16xf32>,
    %get3A_216 = arith.constant 16 : index
    %get3A_217 = tpu.vector_load %arg15[%get3A_216] {strides = array<i32>} : memref<80xi32, #tpu.memory_space<vmem>>, vector<16xi32>,
    %shift_right_logical3A_218 = arith.constant 7 : i32
    %shift_right_logical3A_219 = vector.broadcast %shift_right_logical3A_218 : i32 to vector<16xi32>
    %shift_right_logical3A_220 = arith.shrui %get3A_217, %shift_right_logical3A_219 : vector<16xi32>
    %and3A_221 = arith.constant 127 : i32
    %and3A_222 = vector.broadcast %and3A_221 : i32 to vector<16xi32>
    %and3A_223 = arith.andi %get3A_217, %and3A_222 : vector<16xi32>
    tpu.vector_store_idx %arg22[%shift_right_logical3A_220, %and3A_223], %broadcast_in_dim3A_5 {add = true} : memref<80x128xf32, #tpu.memory_space<vmem>>[vector<16xi32>, vector<16xi32>], vector<16xf32>,
    %get3A_224 = arith.constant 32 : index
    %get3A_225 = tpu.vector_load %arg15[%get3A_224] {strides = array<i32>} : memref<80xi32, #tpu.memory_space<vmem>>, vector<16xi32>,
    %shift_right_logical3A_226 = arith.constant 7 : i32
    %shift_right_logical3A_227 = vector.broadcast %shift_right_logical3A_226 : i32 to vector<16xi32>
    %shift_right_logical3A_228 = arith.shrui %get3A_225, %shift_right_logical3A_227 : vector<16xi32>
    %and3A_229 = arith.constant 127 : i32
    %and3A_230 = vector.broadcast %and3A_229 : i32 to vector<16xi32>
    %and3A_231 = arith.andi %get3A_225, %and3A_230 : vector<16xi32>
    tpu.vector_store_idx %arg22[%shift_right_logical3A_228, %and3A_231], %broadcast_in_dim3A_5 {add = true} : memref<80x128xf32, #tpu.memory_space<vmem>>[vector<16xi32>, vector<16xi32>], vector<16xf32>,
    %get3A_232 = arith.constant 48 : index
    %get3A_233 = tpu.vector_load %arg15[%get3A_232] {strides = array<i32>} : memref<80xi32, #tpu.memory_space<vmem>>, vector<16xi32>,
    %shift_right_logical3A_234 = arith.constant 7 : i32
    %shift_right_logical3A_235 = vector.broadcast %shift_right_logical3A_234 : i32 to vector<16xi32>
    %shift_right_logical3A_236 = arith.shrui %get3A_233, %shift_right_logical3A_235 : vector<16xi32>
    %and3A_237 = arith.constant 127 : i32
    %and3A_238 = vector.broadcast %and3A_237 : i32 to vector<16xi32>
    %and3A_239 = arith.andi %get3A_233, %and3A_238 : vector<16xi32>
    tpu.vector_store_idx %arg22[%shift_right_logical3A_236, %and3A_239], %broadcast_in_dim3A_5 {add = true} : memref<80x128xf32, #tpu.memory_space<vmem>>[vector<16xi32>, vector<16xi32>], vector<16xf32>,
    %get3A_240 = arith.constant 64 : index
    %get3A_241 = tpu.vector_load %arg15[%get3A_240] {strides = array<i32>} : memref<80xi32, #tpu.memory_space<vmem>>, vector<16xi32>,
    %shift_right_logical3A_242 = arith.constant 7 : i32
    %shift_right_logical3A_243 = vector.broadcast %shift_right_logical3A_242 : i32 to vector<16xi32>
    %shift_right_logical3A_244 = arith.shrui %get3A_241, %shift_right_logical3A_243 : vector<16xi32>
    %and3A_245 = arith.constant 127 : i32
    %and3A_246 = vector.broadcast %and3A_245 : i32 to vector<16xi32>
    %and3A_247 = arith.andi %get3A_241, %and3A_246 : vector<16xi32>
    tpu.vector_store_idx %arg22[%shift_right_logical3A_244, %and3A_247], %broadcast_in_dim3A_5 {add = true} : memref<80x128xf32, #tpu.memory_space<vmem>>[vector<16xi32>, vector<16xi32>], vector<16xf32>,
    %dma_start3A_248 = arith.constant 0 : i32
    %dma_start3A_249 = arith.constant 0 : i32
    %dma_start3A_250 = tpu.memref_slice %arg24[%dma_start3A_248, %dma_start3A_249] : memref<10240x128xf32, #tpu.memory_space<vmem_shared>> -> memref<10240x128xf32, #tpu.memory_space<vmem_shared>>
    tpu.enqueue_indirect_dma source(%arg21 : memref<80x128xf32, #tpu.memory_space<vmem>>) target(%dma_start3A_250 : memref<10240x128xf32, #tpu.memory_space<vmem_shared>>) offsets(%arg15 : memref<80xi32, #tpu.memory_space<vmem>>) semaphore(%arg27 : memref<!tpu.dma_semaphore, #tpu.memory_space<semaphore_mem>>) {add = true}
    %dma_wait3A_251 = arith.constant 0 : i32
    %dma_wait3A_252 = arith.constant 0 : i32
    %dma_wait3A_253 = tpu.memref_slice %arg24[%dma_wait3A_251, %dma_wait3A_252] : memref<10240x128xf32, #tpu.memory_space<vmem_shared>> -> memref<80x128xf32, #tpu.memory_space<vmem_shared>>
    %dma_wait3A_254 = arith.constant 0 : i32
    %dma_wait3A_255 = arith.constant 0 : i32
    %dma_wait3A_256 = tpu.memref_slice %arg24[%dma_wait3A_254, %dma_wait3A_255] : memref<10240x128xf32, #tpu.memory_space<vmem_shared>> -> memref<80x128xf32, #tpu.memory_space<vmem_shared>>
    tpu.wait_dma2 semaphore(%arg27 : memref<!tpu.dma_semaphore, #tpu.memory_space<semaphore_mem>>) src(%arg19 : memref<80x128xf32, #tpu.memory_space<vmem>>) dst(%dma_wait3A_256 : memref<80x128xf32, #tpu.memory_space<vmem_shared>>)
    %dma_start3A_257 = arith.constant 0 : i32
    %dma_start3A_258 = arith.constant 0 : i32
    %dma_start3A_259 = tpu.memref_slice %arg2[%dma_start3A_257, %dma_start3A_258] : memref<10000x128xf32, #tpu.memory_space<hbm>> -> memref<10000x128xf32, #tpu.memory_space<hbm>>
    tpu.enqueue_indirect_dma source(%dma_start3A_259 : memref<10000x128xf32, #tpu.memory_space<hbm>>) target(%arg20 : memref<80x128xf32, #tpu.memory_space<vmem>>) offsets(%arg11 : memref<80xi32, #tpu.memory_space<vmem>>) semaphore(%arg26 : memref<!tpu.dma_semaphore, #tpu.memory_space<semaphore_mem>>)
    %dma_wait3A_260 = arith.constant 0 : i32
    %dma_wait3A_261 = arith.constant 0 : i32
    %dma_wait3A_262 = tpu.memref_slice %arg2[%dma_wait3A_260, %dma_wait3A_261] : memref<10000x128xf32, #tpu.memory_space<hbm>> -> memref<80x128xf32, #tpu.memory_space<hbm>>
    %dma_wait3A_263 = arith.constant 0 : i32
    %dma_wait3A_264 = arith.constant 0 : i32
    %dma_wait3A_265 = tpu.memref_slice %arg2[%dma_wait3A_263, %dma_wait3A_264] : memref<10000x128xf32, #tpu.memory_space<hbm>> -> memref<80x128xf32, #tpu.memory_space<hbm>>
    tpu.wait_dma2 semaphore(%arg26 : memref<!tpu.dma_semaphore, #tpu.memory_space<semaphore_mem>>) src(%dma_wait3A_265 : memref<80x128xf32, #tpu.memory_space<hbm>>) dst(%arg19 : memref<80x128xf32, #tpu.memory_space<vmem>>)
    %get3A_266 = arith.constant 0 : index
    %get3A_267 = tpu.vector_load %arg16[%get3A_266] {strides = array<i32>} : memref<80xi32, #tpu.memory_space<vmem>>, vector<16xi32>,
    %shift_right_logical3A_268 = arith.constant 7 : i32
    %shift_right_logical3A_269 = vector.broadcast %shift_right_logical3A_268 : i32 to vector<16xi32>
    %shift_right_logical3A_270 = arith.shrui %get3A_267, %shift_right_logical3A_269 : vector<16xi32>
    %and3A_271 = arith.constant 127 : i32
    %and3A_272 = vector.broadcast %and3A_271 : i32 to vector<16xi32>
    %and3A_273 = arith.andi %get3A_267, %and3A_272 : vector<16xi32>
    tpu.vector_store_idx %arg22[%shift_right_logical3A_270, %and3A_273], %broadcast_in_dim3A_5 {add = true} : memref<80x128xf32, #tpu.memory_space<vmem>>[vector<16xi32>, vector<16xi32>], vector<16xf32>,
    %get3A_274 = arith.constant 16 : index
    %get3A_275 = tpu.vector_load %arg16[%get3A_274] {strides = array<i32>} : memref<80xi32, #tpu.memory_space<vmem>>, vector<16xi32>,
    %shift_right_logical3A_276 = arith.constant 7 : i32
    %shift_right_logical3A_277 = vector.broadcast %shift_right_logical3A_276 : i32 to vector<16xi32>
    %shift_right_logical3A_278 = arith.shrui %get3A_275, %shift_right_logical3A_277 : vector<16xi32>
    %and3A_279 = arith.constant 127 : i32
    %and3A_280 = vector.broadcast %and3A_279 : i32 to vector<16xi32>
    %and3A_281 = arith.andi %get3A_275, %and3A_280 : vector<16xi32>
    tpu.vector_store_idx %arg22[%shift_right_logical3A_278, %and3A_281], %broadcast_in_dim3A_5 {add = true} : memref<80x128xf32, #tpu.memory_space<vmem>>[vector<16xi32>, vector<16xi32>], vector<16xf32>,
    %get3A_282 = arith.constant 32 : index
    %get3A_283 = tpu.vector_load %arg16[%get3A_282] {strides = array<i32>} : memref<80xi32, #tpu.memory_space<vmem>>, vector<16xi32>,
    %shift_right_logical3A_284 = arith.constant 7 : i32
    %shift_right_logical3A_285 = vector.broadcast %shift_right_logical3A_284 : i32 to vector<16xi32>
    %shift_right_logical3A_286 = arith.shrui %get3A_283, %shift_right_logical3A_285 : vector<16xi32>
    %and3A_287 = arith.constant 127 : i32
    %and3A_288 = vector.broadcast %and3A_287 : i32 to vector<16xi32>
    %and3A_289 = arith.andi %get3A_283, %and3A_288 : vector<16xi32>
    tpu.vector_store_idx %arg22[%shift_right_logical3A_286, %and3A_289], %broadcast_in_dim3A_5 {add = true} : memref<80x128xf32, #tpu.memory_space<vmem>>[vector<16xi32>, vector<16xi32>], vector<16xf32>,
    %get3A_290 = arith.constant 48 : index
    %get3A_291 = tpu.vector_load %arg16[%get3A_290] {strides = array<i32>} : memref<80xi32, #tpu.memory_space<vmem>>, vector<16xi32>,
    %shift_right_logical3A_292 = arith.constant 7 : i32
    %shift_right_logical3A_293 = vector.broadcast %shift_right_logical3A_292 : i32 to vector<16xi32>
    %shift_right_logical3A_294 = arith.shrui %get3A_291, %shift_right_logical3A_293 : vector<16xi32>
    %and3A_295 = arith.constant 127 : i32
    %and3A_296 = vector.broadcast %and3A_295 : i32 to vector<16xi32>
    %and3A_297 = arith.andi %get3A_291, %and3A_296 : vector<16xi32>
    tpu.vector_store_idx %arg22[%shift_right_logical3A_294, %and3A_297], %broadcast_in_dim3A_5 {add = true} : memref<80x128xf32, #tpu.memory_space<vmem>>[vector<16xi32>, vector<16xi32>], vector<16xf32>,
    %get3A_298 = arith.constant 64 : index
    %get3A_299 = tpu.vector_load %arg16[%get3A_298] {strides = array<i32>} : memref<80xi32, #tpu.memory_space<vmem>>, vector<16xi32>,
    %shift_right_logical3A_300 = arith.constant 7 : i32
    %shift_right_logical3A_301 = vector.broadcast %shift_right_logical3A_300 : i32 to vector<16xi32>
    %shift_right_logical3A_302 = arith.shrui %get3A_299, %shift_right_logical3A_301 : vector<16xi32>
    %and3A_303 = arith.constant 127 : i32
    %and3A_304 = vector.broadcast %and3A_303 : i32 to vector<16xi32>
    %and3A_305 = arith.andi %get3A_299, %and3A_304 : vector<16xi32>
    tpu.vector_store_idx %arg22[%shift_right_logical3A_302, %and3A_305], %broadcast_in_dim3A_5 {add = true} : memref<80x128xf32, #tpu.memory_space<vmem>>[vector<16xi32>, vector<16xi32>], vector<16xf32>,
    %dma_start3A_306 = arith.constant 0 : i32
    %dma_start3A_307 = arith.constant 0 : i32
    %dma_start3A_308 = tpu.memref_slice %arg24[%dma_start3A_306, %dma_start3A_307] : memref<10240x128xf32, #tpu.memory_space<vmem_shared>> -> memref<10240x128xf32, #tpu.memory_space<vmem_shared>>
    tpu.enqueue_indirect_dma source(%arg19 : memref<80x128xf32, #tpu.memory_space<vmem>>) target(%dma_start3A_308 : memref<10240x128xf32, #tpu.memory_space<vmem_shared>>) offsets(%arg16 : memref<80xi32, #tpu.memory_space<vmem>>) semaphore(%arg27 : memref<!tpu.dma_semaphore, #tpu.memory_space<semaphore_mem>>) {add = true}
    %dma_wait3A_309 = arith.constant 0 : i32
    %dma_wait3A_310 = arith.constant 0 : i32
    %dma_wait3A_311 = tpu.memref_slice %arg24[%dma_wait3A_309, %dma_wait3A_310] : memref<10240x128xf32, #tpu.memory_space<vmem_shared>> -> memref<80x128xf32, #tpu.memory_space<vmem_shared>>
    %dma_wait3A_312 = arith.constant 0 : i32
    %dma_wait3A_313 = arith.constant 0 : i32
    %dma_wait3A_314 = tpu.memref_slice %arg24[%dma_wait3A_312, %dma_wait3A_313] : memref<10240x128xf32, #tpu.memory_space<vmem_shared>> -> memref<80x128xf32, #tpu.memory_space<vmem_shared>>
    tpu.wait_dma2 semaphore(%arg27 : memref<!tpu.dma_semaphore, #tpu.memory_space<semaphore_mem>>) src(%arg19 : memref<80x128xf32, #tpu.memory_space<vmem>>) dst(%dma_wait3A_314 : memref<80x128xf32, #tpu.memory_space<vmem_shared>>)
    %dma_wait3A_315 = arith.constant 0 : i32
    %dma_wait3A_316 = arith.constant 0 : i32
    %dma_wait3A_317 = tpu.memref_slice %arg2[%dma_wait3A_315, %dma_wait3A_316] : memref<10000x128xf32, #tpu.memory_space<hbm>> -> memref<80x128xf32, #tpu.memory_space<hbm>>
    %dma_wait3A_318 = arith.constant 0 : i32
    %dma_wait3A_319 = arith.constant 0 : i32
    %dma_wait3A_320 = tpu.memref_slice %arg2[%dma_wait3A_318, %dma_wait3A_319] : memref<10000x128xf32, #tpu.memory_space<hbm>> -> memref<80x128xf32, #tpu.memory_space<hbm>>
    tpu.wait_dma2 semaphore(%arg26 : memref<!tpu.dma_semaphore, #tpu.memory_space<semaphore_mem>>) src(%dma_wait3A_320 : memref<80x128xf32, #tpu.memory_space<hbm>>) dst(%arg19 : memref<80x128xf32, #tpu.memory_space<vmem>>)
    %get3A_321 = arith.constant 0 : index
    %get3A_322 = tpu.vector_load %arg17[%get3A_321] {strides = array<i32>} : memref<80xi32, #tpu.memory_space<vmem>>, vector<16xi32>,
    %shift_right_logical3A_323 = arith.constant 7 : i32
    %shift_right_logical3A_324 = vector.broadcast %shift_right_logical3A_323 : i32 to vector<16xi32>
    %shift_right_logical3A_325 = arith.shrui %get3A_322, %shift_right_logical3A_324 : vector<16xi32>
    %and3A_326 = arith.constant 127 : i32
    %and3A_327 = vector.broadcast %and3A_326 : i32 to vector<16xi32>
    %and3A_328 = arith.andi %get3A_322, %and3A_327 : vector<16xi32>
    tpu.vector_store_idx %arg22[%shift_right_logical3A_325, %and3A_328], %broadcast_in_dim3A_5 {add = true} : memref<80x128xf32, #tpu.memory_space<vmem>>[vector<16xi32>, vector<16xi32>], vector<16xf32>,
    %get3A_329 = arith.constant 16 : index
    %get3A_330 = tpu.vector_load %arg17[%get3A_329] {strides = array<i32>} : memref<80xi32, #tpu.memory_space<vmem>>, vector<16xi32>,
    %shift_right_logical3A_331 = arith.constant 7 : i32
    %shift_right_logical3A_332 = vector.broadcast %shift_right_logical3A_331 : i32 to vector<16xi32>
    %shift_right_logical3A_333 = arith.shrui %get3A_330, %shift_right_logical3A_332 : vector<16xi32>
    %and3A_334 = arith.constant 127 : i32
    %and3A_335 = vector.broadcast %and3A_334 : i32 to vector<16xi32>
    %and3A_336 = arith.andi %get3A_330, %and3A_335 : vector<16xi32>
    tpu.vector_store_idx %arg22[%shift_right_logical3A_333, %and3A_336], %broadcast_in_dim3A_5 {add = true} : memref<80x128xf32, #tpu.memory_space<vmem>>[vector<16xi32>, vector<16xi32>], vector<16xf32>,
    %get3A_337 = arith.constant 32 : index
    %get3A_338 = tpu.vector_load %arg17[%get3A_337] {strides = array<i32>} : memref<80xi32, #tpu.memory_space<vmem>>, vector<16xi32>,
    %shift_right_logical3A_339 = arith.constant 7 : i32
    %shift_right_logical3A_340 = vector.broadcast %shift_right_logical3A_339 : i32 to vector<16xi32>
    %shift_right_logical3A_341 = arith.shrui %get3A_338, %shift_right_logical3A_340 : vector<16xi32>
    %and3A_342 = arith.constant 127 : i32
    %and3A_343 = vector.broadcast %and3A_342 : i32 to vector<16xi32>
    %and3A_344 = arith.andi %get3A_338, %and3A_343 : vector<16xi32>
    tpu.vector_store_idx %arg22[%shift_right_logical3A_341, %and3A_344], %broadcast_in_dim3A_5 {add = true} : memref<80x128xf32, #tpu.memory_space<vmem>>[vector<16xi32>, vector<16xi32>], vector<16xf32>,
    %get3A_345 = arith.constant 48 : index
    %get3A_346 = tpu.vector_load %arg17[%get3A_345] {strides = array<i32>} : memref<80xi32, #tpu.memory_space<vmem>>, vector<16xi32>,
    %shift_right_logical3A_347 = arith.constant 7 : i32
    %shift_right_logical3A_348 = vector.broadcast %shift_right_logical3A_347 : i32 to vector<16xi32>
    %shift_right_logical3A_349 = arith.shrui %get3A_346, %shift_right_logical3A_348 : vector<16xi32>
    %and3A_350 = arith.constant 127 : i32
    %and3A_351 = vector.broadcast %and3A_350 : i32 to vector<16xi32>
    %and3A_352 = arith.andi %get3A_346, %and3A_351 : vector<16xi32>
    tpu.vector_store_idx %arg22[%shift_right_logical3A_349, %and3A_352], %broadcast_in_dim3A_5 {add = true} : memref<80x128xf32, #tpu.memory_space<vmem>>[vector<16xi32>, vector<16xi32>], vector<16xf32>,
    %get3A_353 = arith.constant 64 : index
    %get3A_354 = tpu.vector_load %arg17[%get3A_353] {strides = array<i32>} : memref<80xi32, #tpu.memory_space<vmem>>, vector<16xi32>,
    %shift_right_logical3A_355 = arith.constant 7 : i32
    %shift_right_logical3A_356 = vector.broadcast %shift_right_logical3A_355 : i32 to vector<16xi32>
    %shift_right_logical3A_357 = arith.shrui %get3A_354, %shift_right_logical3A_356 : vector<16xi32>
    %and3A_358 = arith.constant 127 : i32
    %and3A_359 = vector.broadcast %and3A_358 : i32 to vector<16xi32>
    %and3A_360 = arith.andi %get3A_354, %and3A_359 : vector<16xi32>
    tpu.vector_store_idx %arg22[%shift_right_logical3A_357, %and3A_360], %broadcast_in_dim3A_5 {add = true} : memref<80x128xf32, #tpu.memory_space<vmem>>[vector<16xi32>, vector<16xi32>], vector<16xf32>,
    %dma_start3A_361 = arith.constant 0 : i32
    %dma_start3A_362 = arith.constant 0 : i32
    %dma_start3A_363 = tpu.memref_slice %arg24[%dma_start3A_361, %dma_start3A_362] : memref<10240x128xf32, #tpu.memory_space<vmem_shared>> -> memref<10240x128xf32, #tpu.memory_space<vmem_shared>>
    tpu.enqueue_indirect_dma source(%arg20 : memref<80x128xf32, #tpu.memory_space<vmem>>) target(%dma_start3A_363 : memref<10240x128xf32, #tpu.memory_space<vmem_shared>>) offsets(%arg17 : memref<80xi32, #tpu.memory_space<vmem>>) semaphore(%arg27 : memref<!tpu.dma_semaphore, #tpu.memory_space<semaphore_mem>>) {add = true}
    %dma_wait3A_364 = arith.constant 0 : i32
    %dma_wait3A_365 = arith.constant 0 : i32
    %dma_wait3A_366 = tpu.memref_slice %arg24[%dma_wait3A_364, %dma_wait3A_365] : memref<10240x128xf32, #tpu.memory_space<vmem_shared>> -> memref<80x128xf32, #tpu.memory_space<vmem_shared>>
    %dma_wait3A_367 = arith.constant 0 : i32
    %dma_wait3A_368 = arith.constant 0 : i32
    %dma_wait3A_369 = tpu.memref_slice %arg24[%dma_wait3A_367, %dma_wait3A_368] : memref<10240x128xf32, #tpu.memory_space<vmem_shared>> -> memref<80x128xf32, #tpu.memory_space<vmem_shared>>
    tpu.wait_dma2 semaphore(%arg27 : memref<!tpu.dma_semaphore, #tpu.memory_space<semaphore_mem>>) src(%arg19 : memref<80x128xf32, #tpu.memory_space<vmem>>) dst(%dma_wait3A_369 : memref<80x128xf32, #tpu.memory_space<vmem_shared>>)
    %dma_wait3A_370 = arith.constant 0 : i32
    %dma_wait3A_371 = arith.constant 0 : i32
    %dma_wait3A_372 = tpu.memref_slice %arg24[%dma_wait3A_370, %dma_wait3A_371] : memref<10240x128xf32, #tpu.memory_space<vmem_shared>> -> memref<80x128xf32, #tpu.memory_space<vmem_shared>>
    %dma_wait3A_373 = arith.constant 0 : i32
    %dma_wait3A_374 = arith.constant 0 : i32
    %dma_wait3A_375 = tpu.memref_slice %arg24[%dma_wait3A_373, %dma_wait3A_374] : memref<10240x128xf32, #tpu.memory_space<vmem_shared>> -> memref<80x128xf32, #tpu.memory_space<vmem_shared>>
    tpu.wait_dma2 semaphore(%arg27 : memref<!tpu.dma_semaphore, #tpu.memory_space<semaphore_mem>>) src(%arg19 : memref<80x128xf32, #tpu.memory_space<vmem>>) dst(%dma_wait3A_375 : memref<80x128xf32, #tpu.memory_space<vmem_shared>>)
    "tpu.region"() ({
      %run_scoped3A = tpu.sem_alloc : memref<!tpu.dma_semaphore, #tpu.memory_space<semaphore_mem>>
      %dma_start3A_381 = arith.constant 0 : i32
      %dma_start3A_382 = arith.constant 0 : i32
      %dma_start3A_383 = tpu.memref_slice %arg24[%dma_start3A_381, %dma_start3A_382] : memref<10240x128xf32, #tpu.memory_space<vmem_shared>> -> memref<10240x128xf32, #tpu.memory_space<vmem_shared>>
      tpu.enqueue_indirect_dma source(%arg22 : memref<80x128xf32, #tpu.memory_space<vmem>>) target(%dma_start3A_383 : memref<10240x128xf32, #tpu.memory_space<vmem_shared>>) offsets(%arg23 : memref<80xi32, #tpu.memory_space<vmem>>) semaphore(%run_scoped3A : memref<!tpu.dma_semaphore, #tpu.memory_space<semaphore_mem>>) {add = true}
      %dma_wait3A_384 = arith.constant 0 : i32
      %dma_wait3A_385 = arith.constant 0 : i32
      %dma_wait3A_386 = tpu.memref_slice %arg24[%dma_wait3A_384, %dma_wait3A_385] : memref<10240x128xf32, #tpu.memory_space<vmem_shared>> -> memref<10240x128xf32, #tpu.memory_space<vmem_shared>>
      tpu.wait_indirect_dma semaphore(%run_scoped3A : memref<!tpu.dma_semaphore, #tpu.memory_space<semaphore_mem>>) src(%arg22 : memref<80x128xf32, #tpu.memory_space<vmem>>) dst(%dma_wait3A_386 : memref<10240x128xf32, #tpu.memory_space<vmem_shared>>)
      tpu.yield
    }) : () -> ()
    %barrier3A_376 = arith.constant 0 : index
    tpu.barrier barrier_id(%barrier3A_376)
    %mul3A_377 = arith.constant 640 : i32
    %mul3A_378 = arith.muli %arg1, %mul3A_377 : i32
    %mul3A_379 = arith.constant 640 : i32
    %mul3A_380 = arith.muli %arg1, %mul3A_379 : i32
    "tpu.region"() ({
      %run_scoped3A = tpu.sem_alloc : memref<!tpu.dma_semaphore, #tpu.memory_space<semaphore_mem>>
      %dma_start3A_381 = arith.constant 0 : i32
      %dma_start3A_382 = tpu.memref_slice %arg6[%arg0, %mul3A_380, %dma_start3A_381] : memref<2x10240x128xf32, #tpu.memory_space<hbm>> -> memref<1x640x128xf32, #tpu.memory_space<hbm>>
      %dma_start3A_383 = tpu.memref_squeeze %dma_start3A_382 : memref<1x640x128xf32, #tpu.memory_space<hbm>> -> memref<640x128xf32, #tpu.memory_space<hbm>>
      %dma_start3A_384 = arith.constant 0 : i32
      %dma_start3A_385 = tpu.memref_slice %arg24[%mul3A_378, %dma_start3A_384] : memref<10240x128xf32, #tpu.memory_space<vmem_shared>> -> memref<640x128xf32, #tpu.memory_space<vmem_shared>>
      tpu.enqueue_dma source(%dma_start3A_385 : memref<640x128xf32, #tpu.memory_space<vmem_shared>>) target(%dma_start3A_383 : memref<640x128xf32, #tpu.memory_space<hbm>>) target_semaphore(%run_scoped3A : memref<!tpu.dma_semaphore, #tpu.memory_space<semaphore_mem>>)
      %dma_wait3A_386 = arith.constant 0 : i32
      %dma_wait3A_387 = tpu.memref_slice %arg6[%arg0, %mul3A_380, %dma_wait3A_386] : memref<2x10240x128xf32, #tpu.memory_space<hbm>> -> memref<1x640x128xf32, #tpu.memory_space<hbm>>
      %dma_wait3A_388 = tpu.memref_squeeze %dma_wait3A_387 : memref<1x640x128xf32, #tpu.memory_space<hbm>> -> memref<640x128xf32, #tpu.memory_space<hbm>>
      %dma_wait3A_389 = arith.constant 0 : i32
      %dma_wait3A_390 = tpu.memref_slice %arg24[%mul3A_378, %dma_wait3A_389] : memref<10240x128xf32, #tpu.memory_space<vmem_shared>> -> memref<640x128xf32, #tpu.memory_space<vmem_shared>>
      tpu.wait_dma2 semaphore(%run_scoped3A : memref<!tpu.dma_semaphore, #tpu.memory_space<semaphore_mem>>) src(%dma_wait3A_390 : memref<640x128xf32, #tpu.memory_space<vmem_shared>>) dst(%dma_wait3A_388 : memref<640x128xf32, #tpu.memory_space<hbm>>)
      tpu.yield
    }) : () -> ()
    return
  }
}

module attributes {stable_mosaic.version = 14 : i64} {
  func.func @_dense_body(%arg0: i32, %arg1: memref<2x2000x128xf32, #tpu.memory_space<vmem>>, %arg2: memref<2000x2xf32, #tpu.memory_space<vmem>>, %arg3: memref<2000x1xi32, #tpu.memory_space<vmem>>, %arg4: memref<128x128xf32, #tpu.memory_space<vmem>>, %arg5: memref<1x128xf32, #tpu.memory_space<vmem>>, %arg6: memref<128x1xf32, #tpu.memory_space<vmem>>, %arg7: memref<1x1xf32, #tpu.memory_space<vmem>>, %arg8: memref<64x1xf32, #tpu.memory_space<vmem>>, %arg9: memref<64x128xf32, #tpu.memory_space<vmem>>, %arg10: memref<64x1xf32, #tpu.memory_space<vmem>>) attributes {dimension_semantics = [#tpu.dimension_semantics<arbitrary>], iteration_bounds = array<i64: 5>, scalar_prefetch = 0 : i64, scratch_operands = 2 : i64, tpu.core_type = #tpu.core_type<tc>, window_params = [{transform_indices = @transform_0, window_bounds = array<i64: 2, 2000, 128>}, {transform_indices = @transform_1, window_bounds = array<i64: 2000, 2>}, {transform_indices = @transform_2, window_bounds = array<i64: 2000, 1>}, {pipeline_mode = #tpu.pipeline_mode<synchronous>, transform_indices = @transform_3, window_bounds = array<i64: 128, 128>}, {pipeline_mode = #tpu.pipeline_mode<synchronous>, transform_indices = @transform_4, window_bounds = array<i64: 1, 128>}, {pipeline_mode = #tpu.pipeline_mode<synchronous>, transform_indices = @transform_5, window_bounds = array<i64: 128, 1>}, {pipeline_mode = #tpu.pipeline_mode<synchronous>, transform_indices = @transform_6, window_bounds = array<i64: 1, 1>}, {pipeline_mode = #tpu.pipeline_mode<synchronous>, transform_indices = @transform_7, window_bounds = array<i64: 64, 1>}]} {
    %eq3A = arith.constant 0 : i32
    %eq3A_0 = arith.cmpi eq, %arg0, %eq3A : i32
    %convert_element_type3A = arith.extui %eq3A_0 : i1 to i32
    %cond3A = arith.constant 0 : i32
    %cond3A_1 = arith.cmpi ne, %convert_element_type3A, %cond3A : i32
    scf.if %cond3A_1 {
      %broadcast_in_dim3A_62 = arith.constant 0.000000e+00 : f32
      %broadcast_in_dim3A_63 = vector.broadcast %broadcast_in_dim3A_62 : f32 to vector<64x128xf32>
      %swap3A_64 = arith.constant 0 : index
      %swap3A_65 = arith.constant 0 : index
      %swap3A_66 = vector.load %arg9[%swap3A_64, %swap3A_65] : memref<64x128xf32, #tpu.memory_space<vmem>>, vector<64x128xf32>
      tpu.vector_store %arg9[%swap3A_64, %swap3A_65], %broadcast_in_dim3A_63 {strides = array<i32>} : memref<64x128xf32, #tpu.memory_space<vmem>>, vector<64x128xf32>,
      %broadcast_in_dim3A_67 = arith.constant 0.000000e+00 : f32
      %broadcast_in_dim3A_68 = vector.broadcast %broadcast_in_dim3A_67 : f32 to vector<64x1xf32>
      %swap3A_69 = arith.constant 0 : index
      %swap3A_70 = arith.constant 0 : index
      %swap3A_71 = vector.load %arg10[%swap3A_69, %swap3A_70] : memref<64x1xf32, #tpu.memory_space<vmem>>, vector<64x1xf32>
      tpu.vector_store %arg10[%swap3A_69, %swap3A_70], %broadcast_in_dim3A_68 {strides = array<i32>} : memref<64x1xf32, #tpu.memory_space<vmem>>, vector<64x1xf32>,
    } else {
    }
    %get3A = arith.constant 0 : index
    %get3A_2 = arith.constant 0 : index
    %get3A_3 = arith.constant 0 : index
    %get3A_4 = vector.load %arg1[%get3A, %get3A_2, %get3A_3] : memref<2x2000x128xf32, #tpu.memory_space<vmem>>, vector<1x2000x128xf32>
    %get3A_5 = vector.shape_cast %get3A_4 : vector<1x2000x128xf32> to vector<2000x128xf32>
    %get3A_6 = arith.constant 1 : index
    %get3A_7 = arith.constant 0 : index
    %get3A_8 = arith.constant 0 : index
    %get3A_9 = vector.load %arg1[%get3A_6, %get3A_7, %get3A_8] : memref<2x2000x128xf32, #tpu.memory_space<vmem>>, vector<1x2000x128xf32>
    %get3A_10 = vector.shape_cast %get3A_9 : vector<1x2000x128xf32> to vector<2000x128xf32>
    %add3A = arith.addf %get3A_5, %get3A_10 : vector<2000x128xf32>
    %get3A_11 = arith.constant 0 : index
    %get3A_12 = arith.constant 0 : index
    %get3A_13 = vector.load %arg2[%get3A_11, %get3A_12] : memref<2000x2xf32, #tpu.memory_space<vmem>>, vector<2000x2xf32>
    %reduce_sum3A = arith.constant dense<0.000000e+00> : vector<2000xf32>
    %reduce_sum3A_14 = vector.multi_reduction <add>, %get3A_13, %reduce_sum3A [1] : vector<2000x2xf32> to vector<2000xf32>
    %broadcast_in_dim3A = vector.shape_cast %reduce_sum3A_14 : vector<2000xf32> to vector<2000x1xf32>
    %max3A = arith.constant 1.000000e+00 : f32
    %max3A_15 = vector.broadcast %max3A : f32 to vector<2000x1xf32>
    %max3A_16 = arith.maximumf %broadcast_in_dim3A, %max3A_15 : vector<2000x1xf32>
    %div3A = vector.broadcast %max3A_16 : vector<2000x1xf32> to vector<2000x128xf32>
    %div3A_17 = arith.divf %add3A, %div3A : vector<2000x128xf32>
    %get3A_18 = arith.constant 0 : index
    %get3A_19 = arith.constant 0 : index
    %get3A_20 = vector.load %arg4[%get3A_18, %get3A_19] : memref<128x128xf32, #tpu.memory_space<vmem>>, vector<128x128xf32>
    %dot_general3A = arith.constant dense<0.000000e+00> : vector<2000x128xf32>
    %dot_general3A_21 = tpu.matmul %div3A_17, %get3A_20, %dot_general3A {dimension_numbers = #tpu.dot_dimension_numbers<[1], [0], [0], [1], [0, 0, 1, 1], [], []>, transpose_lhs_hint = false} : vector<2000x128xf32>, vector<128x128xf32>, vector<2000x128xf32> -> vector<2000x128xf32>
    %get3A_22 = arith.constant 0 : index
    %get3A_23 = arith.constant 0 : index
    %get3A_24 = vector.load %arg5[%get3A_22, %get3A_23] : memref<1x128xf32, #tpu.memory_space<vmem>>, vector<1x128xf32>
    %add3A_25 = vector.broadcast %get3A_24 : vector<1x128xf32> to vector<2000x128xf32>
    %add3A_26 = arith.addf %dot_general3A_21, %add3A_25 : vector<2000x128xf32>
    %max3A_27 = arith.constant 0.000000e+00 : f32
    %max3A_28 = vector.broadcast %max3A_27 : f32 to vector<2000x128xf32>
    %max3A_29 = arith.maximumf %add3A_26, %max3A_28 : vector<2000x128xf32>
    %get3A_30 = arith.constant 0 : index
    %get3A_31 = arith.constant 0 : index
    %get3A_32 = vector.load %arg3[%get3A_30, %get3A_31] : memref<2000x1xi32, #tpu.memory_space<vmem>>, vector<2000x1xi32>
    %iota3A = tpu.iota {dimensions = array<i32: 1>} : vector<1x64xi32>
    %eq3A_33 = vector.broadcast %get3A_32 : vector<2000x1xi32> to vector<2000x64xi32>
    %eq3A_34 = vector.broadcast %iota3A : vector<1x64xi32> to vector<2000x64xi32>
    %eq3A_35 = arith.cmpi eq, %eq3A_33, %eq3A_34 : vector<2000x64xi32>
    %convert_element_type3A_36 = arith.extui %eq3A_35 : vector<2000x64xi1> to vector<2000x64xi32>
    %convert_element_type3A_37 = arith.sitofp %convert_element_type3A_36 : vector<2000x64xi32> to vector<2000x64xf32>
    %get3A_38 = arith.constant 0 : index
    %get3A_39 = arith.constant 0 : index
    %get3A_40 = vector.load %arg9[%get3A_38, %get3A_39] : memref<64x128xf32, #tpu.memory_space<vmem>>, vector<64x128xf32>
    %dot_general3A_41 = arith.constant dense<0.000000e+00> : vector<64x128xf32>
    %dot_general3A_42 = tpu.matmul %convert_element_type3A_37, %max3A_29, %dot_general3A_41 {dimension_numbers = #tpu.dot_dimension_numbers<[0], [0], [1], [1], [0, 1, 1, 1], [], []>, precision = #tpu.contract_precision<fp32>, transpose_lhs_hint = false} : vector<2000x64xf32>, vector<2000x128xf32>, vector<64x128xf32> -> vector<64x128xf32>
    %add3A_43 = arith.addf %get3A_40, %dot_general3A_42 : vector<64x128xf32>
    %swap3A = arith.constant 0 : index
    %swap3A_44 = arith.constant 0 : index
    %swap3A_45 = vector.load %arg9[%swap3A, %swap3A_44] : memref<64x128xf32, #tpu.memory_space<vmem>>, vector<64x128xf32>
    tpu.vector_store %arg9[%swap3A, %swap3A_44], %add3A_43 {strides = array<i32>} : memref<64x128xf32, #tpu.memory_space<vmem>>, vector<64x128xf32>,
    %get3A_46 = arith.constant 0 : index
    %get3A_47 = arith.constant 0 : index
    %get3A_48 = vector.load %arg10[%get3A_46, %get3A_47] : memref<64x1xf32, #tpu.memory_space<vmem>>, vector<64x1xf32>
    %broadcast_in_dim3A_49 = arith.constant 1.000000e+00 : f32
    %broadcast_in_dim3A_50 = vector.broadcast %broadcast_in_dim3A_49 : f32 to vector<2000x1xf32>
    %dot_general3A_51 = arith.constant dense<0.000000e+00> : vector<64x1xf32>
    %dot_general3A_52 = tpu.matmul %convert_element_type3A_37, %broadcast_in_dim3A_50, %dot_general3A_51 {dimension_numbers = #tpu.dot_dimension_numbers<[0], [0], [1], [1], [0, 1, 1, 1], [], []>, precision = #tpu.contract_precision<fp32>, transpose_lhs_hint = false} : vector<2000x64xf32>, vector<2000x1xf32>, vector<64x1xf32> -> vector<64x1xf32>
    %add3A_53 = arith.addf %get3A_48, %dot_general3A_52 : vector<64x1xf32>
    %swap3A_54 = arith.constant 0 : index
    %swap3A_55 = arith.constant 0 : index
    %swap3A_56 = vector.load %arg10[%swap3A_54, %swap3A_55] : memref<64x1xf32, #tpu.memory_space<vmem>>, vector<64x1xf32>
    tpu.vector_store %arg10[%swap3A_54, %swap3A_55], %add3A_53 {strides = array<i32>} : memref<64x1xf32, #tpu.memory_space<vmem>>, vector<64x1xf32>,
    %eq3A_57 = arith.constant 4 : i32
    %eq3A_58 = arith.cmpi eq, %arg0, %eq3A_57 : i32
    %convert_element_type3A_59 = arith.extui %eq3A_58 : i1 to i32
    %cond3A_60 = arith.constant 0 : i32
    %cond3A_61 = arith.cmpi ne, %convert_element_type3A_59, %cond3A_60 : i32
    scf.if %cond3A_61 {
      %get3A_62 = arith.constant 0 : index
      %get3A_63 = arith.constant 0 : index
      %get3A_64 = vector.load %arg9[%get3A_62, %get3A_63] : memref<64x128xf32, #tpu.memory_space<vmem>>, vector<64x128xf32>
      %get3A_65 = arith.constant 0 : index
      %get3A_66 = arith.constant 0 : index
      %get3A_67 = vector.load %arg10[%get3A_65, %get3A_66] : memref<64x1xf32, #tpu.memory_space<vmem>>, vector<64x1xf32>
      %max3A_68 = arith.constant 1.000000e+00 : f32
      %max3A_69 = vector.broadcast %max3A_68 : f32 to vector<64x1xf32>
      %max3A_70 = arith.maximumf %get3A_67, %max3A_69 : vector<64x1xf32>
      %div3A_71 = vector.broadcast %max3A_70 : vector<64x1xf32> to vector<64x128xf32>
      %div3A_72 = arith.divf %get3A_64, %div3A_71 : vector<64x128xf32>
      %get3A_73 = arith.constant 0 : index
      %get3A_74 = arith.constant 0 : index
      %get3A_75 = vector.load %arg6[%get3A_73, %get3A_74] : memref<128x1xf32, #tpu.memory_space<vmem>>, vector<128x1xf32>
      %dot_general3A_76 = arith.constant dense<0.000000e+00> : vector<64x1xf32>
      %dot_general3A_77 = tpu.matmul %div3A_72, %get3A_75, %dot_general3A_76 {dimension_numbers = #tpu.dot_dimension_numbers<[1], [0], [0], [1], [0, 0, 1, 1], [], []>, transpose_lhs_hint = false} : vector<64x128xf32>, vector<128x1xf32>, vector<64x1xf32> -> vector<64x1xf32>
      %get3A_78 = arith.constant 0 : index
      %get3A_79 = arith.constant 0 : index
      %get3A_80 = vector.load %arg7[%get3A_78, %get3A_79] : memref<1x1xf32, #tpu.memory_space<vmem>>, vector<1x1xf32>
      %add3A_81 = vector.broadcast %get3A_80 : vector<1x1xf32> to vector<64x1xf32>
      %add3A_82 = arith.addf %dot_general3A_77, %add3A_81 : vector<64x1xf32>
      %swap3A_83 = arith.constant 0 : index
      %swap3A_84 = arith.constant 0 : index
      %swap3A_85 = vector.load %arg8[%swap3A_83, %swap3A_84] : memref<64x1xf32, #tpu.memory_space<vmem>>, vector<64x1xf32>
      tpu.vector_store %arg8[%swap3A_83, %swap3A_84], %add3A_82 {strides = array<i32>} : memref<64x1xf32, #tpu.memory_space<vmem>>, vector<64x1xf32>,
    } else {
    }
    return
  }
  func.func @transform_0(%arg0: i32) -> (i32, i32, i32) {
    %c0_i32 = arith.constant 0 : i32
    %c0_i32_0 = arith.constant 0 : i32
    %c0_i32_1 = arith.constant 0 : i32
    return %c0_i32, %arg0, %c0_i32_0 : i32, i32, i32
  }
  func.func @transform_1(%arg0: i32) -> (i32, i32) {
    %c0_i32 = arith.constant 0 : i32
    %c0_i32_0 = arith.constant 0 : i32
    return %arg0, %c0_i32 : i32, i32
  }
  func.func @transform_2(%arg0: i32) -> (i32, i32) {
    %c0_i32 = arith.constant 0 : i32
    %c0_i32_0 = arith.constant 0 : i32
    return %arg0, %c0_i32 : i32, i32
  }
  func.func @transform_3(%arg0: i32) -> (i32, i32) {
    %c0_i32 = arith.constant 0 : i32
    %c0_i32_0 = arith.constant 0 : i32
    %c0_i32_1 = arith.constant 0 : i32
    return %c0_i32, %c0_i32_0 : i32, i32
  }
  func.func @transform_4(%arg0: i32) -> (i32, i32) {
    %c0_i32 = arith.constant 0 : i32
    %c0_i32_0 = arith.constant 0 : i32
    %c0_i32_1 = arith.constant 0 : i32
    return %c0_i32, %c0_i32_0 : i32, i32
  }
  func.func @transform_5(%arg0: i32) -> (i32, i32) {
    %c0_i32 = arith.constant 0 : i32
    %c0_i32_0 = arith.constant 0 : i32
    %c0_i32_1 = arith.constant 0 : i32
    return %c0_i32, %c0_i32_0 : i32, i32
  }
  func.func @transform_6(%arg0: i32) -> (i32, i32) {
    %c0_i32 = arith.constant 0 : i32
    %c0_i32_0 = arith.constant 0 : i32
    %c0_i32_1 = arith.constant 0 : i32
    return %c0_i32, %c0_i32_0 : i32, i32
  }
  func.func @transform_7(%arg0: i32) -> (i32, i32) {
    %c0_i32 = arith.constant 0 : i32
    %c0_i32_0 = arith.constant 0 : i32
    %c0_i32_1 = arith.constant 0 : i32
    return %c0_i32, %c0_i32_0 : i32, i32
  }
}

</mosaic_0001>

<sc_bundles>
// kernel: kernel.4.cloned.1.call-start
scs
__scs_entry_jumppad:
0x0: {  	(pc) =	sbr.rel $0x88, $3  }
0x1: {  	(tag) =	ssettag $0x0;
	lr =	simm.s32 $0x1  }
0x2: {  	[smem:$0x3F9A] =	sst lr;
	_ =	strace $0xD0000000  }
0x3: {  	_ = 	snop  }
0x4: {  	_ = 	snop  }
0x5: {  	_ = 	snop  }
0x6: {  	_ = 	snop  }
0x7: {  	_ = 	snop  }
__scs_overlays_trampoline_lowered:
0x8: {  	[smem:$0x3FA9] =	sst s0  }
0x9: {  	[smem:$0x3FAA] =	sst s1  }
0xa: {  	[smem:$0x3FAB] =	sst s2  }
0xb: {  	[smem:$0x3FAC] =	sst s3  }
0xc: {  	[smem:$0x3FAD] =	sst s4  }
0xd: {  	[smem:$0x3FAE] =	sst s5  }
0xe: {  	[smem:$0x3FAF] =	sst s6  }
0xf: {  	[smem:$0x3FB0] =	sst s7  }
0x10: {  	[smem:$0x3FB1] =	sst s8  }
0x11: {  	[smem:$0x3FB2] =	sst s9;
	s0 =	simm.s32 @!p0 $0x0  }
0x12: {  	s1 =	sld [smem:$0x3F98];
	s0 =	simm.s32 @p0 $0x1  }
0x13: {  	[smem:$0x3FB3] =	sst s0;
	s0 =	simm.s32 @!p1 $0x0  }
0x14: {  	s2 =	sld [smem:$0x3F97];
	s0 =	simm.s32 @p1 $0x1  }
0x15: {  	[smem:$0x3FB4] =	sst s0;
	s0 =	simm.s32 @!p2 $0x0  }
0x16: {  	s3 =	sld [smem:$0x3FDB];
	s0 =	simm.s32 @p2 $0x1  }
0x17: {  	s4 =	simm.s32 $0x1BF5;
	[smem:$0x3FB6] =	sst s0  }
0x18: {  	s0 =	sld [smem:$0x3F99];
	_ =	swait.ge [sflag:s4], $0x0  }
0x19: {  	s7 =	sld [smem:$0x3F9A]  }
0x1a: {  	s8 =	sadd.s32 $0xFFFFE003, lr  }
0x1b: {  	s9 =	sadd.s32 $0xFFFFFEF7, lr;
	s5 =	simm.s32 $0xFFFFFFFF;
	p2 =	slt.u32 s8, $0xFFFFF086  }
0x1c: {  	p1 =	slt.u32 s9, $0xF7A;
	s5 =	simm.s32 @!p2 $0x0  }
0x1d: {  	s5 =	simm.s32 @p1 $0x1;
	p0 =	seq.s32 s7, s2  }
0x1e: {  	s7 =	smul.u32 @!p0 $0xF7A, s2;
	p2 =	seq.s32 @!p0 s5, $0x0  }
0x1f: {  	s9 =	smul.u32 $0xF7A, s1;
	s8 =	simm.s32 @!p0 $0x1BF5;
	p2 =	por !p2, p0  }
0x20: {  	[sflag:s8] =	ssyncset.s32 @!p0 $0xFFFFF086;
	s6 =	sadd.s32 @!p0 s3, s7;
	s7 =	simm.s32 @!p0 $0x108  }
0x21: {  	s3 =	sadd.s32 s3, s9;
	s6 =	sadd.s32 @!p0 $0x88, s6;
	s7 =	simm.s32 @p2 $0x1082  }
0x22: {  	[simem:s7], [sflag:s8] =	dma.local @!p0 [hbm:s6], $0xF7A  }
0x23: {  	s9 =	sor.u32 $0xD0000000, s2;
	s6 =	simm.s32 $0x108;
	_ =	swait.ge @!p0 [sflag:s8], $0x0  }
0x24: {  	s3 =	sadd.s32 $0x88, s3;
	s6 =	simm.s32 @!p1 $0x1082;
	[sflag:s4] =	ssyncset.s32 $0xFFFFF086  }
0x25: {  	[simem:s6], [sflag:s4] =	dma.local [hbm:s3], $0xF7A  }
0x26: {  	[smem:$0x3F9A] =	sst s1;
	(tag) =	ssettag s2;
	_ =	strace s9  }
0x27: {  	s1 =	sld [smem:$0x3FAA]  }
0x28: {  	s2 =	sld [smem:$0x3FAB]  }
0x29: {  	s4 =	sld [smem:$0x3FAD]  }
0x2a: {  	p0 =	seq.s32 s5, $0x0;
	s5 =	sld [smem:$0x3FAE]  }
0x2b: {  	s6 =	sld [smem:$0x3FAF]  }
0x2c: {  	s7 =	sld [smem:$0x3FB0]  }
0x2d: {  	s3 =	simm.s32 $0x108;
	s8 =	sld [smem:$0x3FB1]  }
0x2e: {  	s3 =	simm.s32 @!p0 $0x1082;
	s9 =	sld [smem:$0x3FB2]  }
0x2f: {  	lr =	sadd.s32 s0, s3;
	s0 =	sld [smem:$0x3FA9]  }
0x30: {  	s3 =	sld [smem:$0x3FAC]  }
0x31: {  	[smem:$0x3FB5] =	sst s10  }
0x32: {  	s10 =	sld [smem:$0x3FB3];
	_ =	sdelay $0x3  }
0x33: {  	p0 =	seq.s32 s10, $0x1;
	s10 =	sld [smem:$0x3FB5];
	_ =	sdelay $0x3  }
0x34: {  	[smem:$0x3FB5] =	sst s10  }
0x35: {  	s10 =	sld [smem:$0x3FB4];
	_ =	sdelay $0x3  }
0x36: {  	p1 =	seq.s32 s10, $0x1;
	s10 =	sld [smem:$0x3FB5];
	_ =	sdelay $0x3  }
0x37: {  	[smem:$0x3FB5] =	sst s10  }
0x38: {  	s10 =	sld [smem:$0x3FB6]  }
0x39: {  	_ = 	snop;
	(pc) =	sbr.ind lr, $3  }
0x3a: {  	_ = 	snop  }
0x3b: {  	_ = 	snop  }
0x3c: {  	p2 =	seq.s32 s10, $0x1;
	s10 =	sld [smem:$0x3FB5]  }
0x3d: {  	_ =	shalt  }
0x3e: {  	_ =	shalt  }
0x3f: {  	_ =	shalt  }
0x40: {  	_ =	shalt  }
0x41: {  	_ =	shalt  }
0x42: {  	_ =	shalt  }
0x43: {  	_ =	shalt  }
0x44: {  	_ =	shalt  }
0x45: {  	_ =	shalt  }
0x46: {  	_ =	shalt  }
0x47: {  	_ =	shalt  }
0x48: {  	_ =	shalt  }
0x49: {  	_ =	shalt  }
0x4a: {  	_ =	shalt  }
0x4b: {  	_ =	shalt  }
0x4c: {  	_ =	shalt  }
0x4d: {  	_ =	shalt  }
0x4e: {  	_ =	shalt  }
0x4f: {  	_ =	shalt  }
0x50: {  	_ =	shalt  }
0x51: {  	_ =	shalt  }
0x52: {  	_ =	shalt  }
0x53: {  	_ =	shalt  }
0x54: {  	_ =	shalt  }
0x55: {  	_ =	shalt  }
0x56: {  	_ =	shalt  }
0x57: {  	_ =	shalt  }
0x58: {  	_ =	shalt  }
0x59: {  	_ =	shalt  }
0x5a: {  	_ =	shalt  }
0x5b: {  	_ =	shalt  }
0x5c: {  	_ =	shalt  }
0x5d: {  	_ =	shalt  }
0x5e: {  	_ =	shalt  }
0x5f: {  	_ =	shalt  }
0x60: {  	_ =	shalt  }
0x61: {  	_ =	shalt  }
0x62: {  	_ =	shalt  }
0x63: {  	_ =	shalt  }
0x64: {  	_ =	shalt  }
0x65: {  	_ =	shalt  }
0x66: {  	_ =	shalt  }
0x67: {  	_ =	shalt  }
0x68: {  	_ =	shalt  }
0x69: {  	_ =	shalt  }
0x6a: {  	_ =	shalt  }
0x6b: {  	_ =	shalt  }
0x6c: {  	_ =	shalt  }
0x6d: {  	_ =	shalt  }
0x6e: {  	_ =	shalt  }
0x6f: {  	_ =	shalt  }
0x70: {  	_ =	shalt  }
0x71: {  	_ =	shalt  }
0x72: {  	_ =	shalt  }
0x73: {  	_ =	shalt  }
0x74: {  	_ =	shalt  }
0x75: {  	_ =	shalt  }
0x76: {  	_ =	shalt  }
0x77: {  	_ =	shalt  }
0x78: {  	_ =	shalt  }
0x79: {  	_ =	shalt  }
0x7a: {  	_ =	shalt  }
0x7b: {  	_ =	shalt  }
0x7c: {  	_ =	shalt  }
0x7d: {  	_ =	shalt  }
0x7e: {  	_ =	shalt  }
0x7f: {  	_ =	shalt  }
0x80: {  	_ =	shalt  }
0x81: {  	_ =	shalt  }
0x82: {  	_ =	shalt  }
0x83: {  	_ =	shalt  }
0x84: {  	_ =	shalt  }
0x85: {  	_ =	shalt  }
0x86: {  	_ =	shalt  }
0x87: {  	_ =	shalt  }
.Lfunc_end0:
.L_simem_size_0:
called_computation_lowered:
.L_overlay_start_0:
0x88: {  	s2 =	sld [smem:$0x3FD9]  }
0x89: {  	s3 =	sld [smem:$0x3FFE];
	_ =	sdelay $0x1  }
0x8a: {  	s1 =	srdreg.scid  }
0x8b: {  	s0 =	sand.u32 $0x1, s1  }
0x8c: {  	s17 =	sshll.u32 s0, $0xA;
	s2 =	sadd.s32 s3, s2  }
0x8d: {  	s2 =	sadd.s32 s2, s17  }
0x8e: {  	[smem:$0x3FC1] =	sst s2  }
0x8f: {  	_ = 	snop  }
0x90: {  	s2 =	sld [smem:$0x3FC9]  }
0x91: {  	s18 =	sld [smem:$0x3FD0];
	(tm) =	ssettm $0x1  }
0x92: {  	s4 =	sld [smem:$0x3FFB];
	_ =	sdelay $0x3  }
0x93: {  	_ =	strace s4  }
0x94: {  	s4 =	sld [smem:$0x3FFC];
	_ =	sdelay $0x3  }
0x95: {  	_ =	strace s4  }
0x96: {  	s4 =	sld [smem:$0x3FFD];
	_ =	sdelay $0x3  }
0x97: {  	_ =	strace s4  }
0x98: {  	_ =	strace $0x8FFFFFFF  }
0x99: {  	s19 =	sld [smem:$0x3FDB];
	_ =	sdelay $0x1  }
0x9a: {  	s5 =	simm.s32 $_scs_section_size  }
0x9b: {  	s6 =	simm.s32 $_size__tile_overlayer_lowered;
	s7 =	simm.s32 $_tile_overlayer_lowered  }
0x9c: {  	s22 =	simm.s32 $0x1BFF;
	s21 =	sshll.u32 s7, $0x1;
	s4 =	sadd.s32 s5, s19  }
0x9d: {  	s8 =	simm.s32 $0x0;
	s20 =	sshll.u32 s6, $0x1;
	s6 =	sadd.s32 s21, s4  }
0x9e: {  	[timem:s8], [sflag:s22] =	dma.local [hbm:s6], s20  }
0x9f: {  	_ =	swait.ge [sflag:s22], s20  }
0xa0: {  	s5 =	ssub.s32 $0x0, s20;
	[sflag:s22] =	ssyncset.done $0x0  }
0xa1: {  	[sflag:s22] =	ssyncadd.s32 s5;
	_ =	sdelay $0x1  }
0xa2: {  	s23 =	simm.s32 $0x1B8B  }
0xa3: {  	_ =	swait.ge [sflag:s23], $0x1  }
0xa4: {  	[sflag:s23] =	ssyncset.done $0x0  }
0xa5: {  	s25 =	simm.s32 $0x1B8E;
	s24 =	sld [smem:$0x3FFE];
	[sflag:s23] =	ssyncadd.s32 $0xFFFFFFFF  }
0xa6: {  	s26 =	simm.s32 $execute0_lowered;
	[smem:$0x3FD2] =	sst s25  }
0xa7: {  	s6 =	sshll.u32 s26, $0x1;
	_ =	strace $0x80000046;
	[dreg:$0x1] =	wrdreg $0xFFFFFFFF  }
0xa8: {  	s28 =	simm.s32 $_size_execute0_lowered;
	s4 =	sadd.s32 s4, s6;
	[dreg:$0x0] =	wrdreg $0x0  }
0xa9: {  	s6 =	sshll.u32 s28, $0x1;
	[dreg:$0x2] =	wrdreg s4  }
0xaa: {  	[dreg:$0x3] =	wrdreg s6  }
0xab: {  	[dreg:$0x4] =	wrdreg $0xC0  }
0xac: {  	_ =	task [dreg:s8], $0x5FFFF  }
0xad: {  	[dreg:$0x1] =	wrdreg $0xFFFFFFFF  }
0xae: {  	[dreg:$0x0] =	wrdreg $0x60  }
0xaf: {  	[dreg:$0x2] =	wrdreg s2  }
0xb0: {  	[dreg:$0x3] =	wrdreg s24  }
0xb1: {  	[dreg:$0x4] =	wrdreg s18  }
0xb2: {  	[dreg:$0x5] =	wrdreg $0xA6800  }
0xb3: {  	[dreg:$0x6] =	wrdreg $0x9  }
0xb4: {  	_ =	task.clear_ibuf [dreg:s8], $0x7FFFF;
	_ =	strace $0x90000046  }
0xb5: {  	s29 =	simm.s32 $0x9;
	_ =	strace $0x80000048  }
0xb6: {  	_ =	swait.ge [sflag:s29], $0x1  }
0xb7: {  	[sflag:s29] =	ssyncadd.s32 $0xFFFFFFFF  }
0xb8: {  	_ =	strace $0x90000048  }
0xb9: {  	_ =	sfence  }
0xba: {  	s30 =	sld [smem:$0x0];
	_ =	sdelay $0x2  }
0xbb: {  	s31 =	sshll.u32 s1, $0xD;
	s1 =	sshrl.u32 s1, $0x2  }
0xbc: {  	s3 =	sand.u32 $0x4000, s31;
	s1 =	sadd.s32 s1, s30  }
0xbd: {  	s0 =	sor.u32 s3, s0;
	s1 =	sshll.u32 s1, $0x11  }
0xbe: {  	s0 =	sor.u32 s1, s0  }
0xbf: {  	s0 =	sadd.s32 $0x8F2B, s0  }
0xc0: {  	[sflag:s0] =	ssyncadd.remote.s32 $0x1  }
0xc1: {  	_ =	sfence.sel $0xFFFF  }
0xc2: {  	[dreg:$0x0] =	wrdreg $0xFFFFFFFF;
	(pc) =	sbr.abs _section_cstart, $3  }
0xc3: {  	[dreg:$0x1] =	wrdreg $0xFFFFFFFF  }
0xc4: {  	_ =	task.clear_ibuf [dreg:s8], $0x2FFFF;
	_ =	strace $0x9FFFFFFF  }
0xc5: {  	(tm) =	ssettm $0x7FFFFFFF  }
tec
execute0_lowered:
.L_overlay_start_1:
0x0: {  	(tag) =	ssettag $0x1  }
0x1: {  	s1 =	rddreg [dreg:$0x0]  }
0x2: {  	s0 =	rddreg [dreg:$0x1]  }
0x3: {  	s3 =	rddreg [dreg:$0x3];
	s5 =	simm.s32 $0x0;
	s2 =	srdreg.scid  }
0x4: {  	s7 =	stileid.u32;
	s28 =	simm.s32 $0x80;
	s29 =	simm.s32 $0x380  }
0x5: {  	s30 =	simm.s32 $0x100;
	s31 =	simm.s32 $0x400;
	s8 =	smul.u32 $0x14000, s7  }
0x6: {  	[smem:$0x7FF] =	sst s5;
	s2 =	sand.u32 $0x1, s2;
	s23 =	smul.u32 $0x50000, s7  }
0x7: {  	s6 =	sadd.s32 $0xA00, s0;
	s9 =	sadd.s32 $0x14400, s0;
	s11 =	smul.u32 $0x4E20, s7  }
0x8: {  	s21 =	sshll.u32 s7, $0x1;
	s25 =	sshll.u32 s7, $0x6;
	s4 =	smul.u32 $0x140000, s2  }
0x9: {  	_ =	strace $0x80000047;
	[dreg:$0x10] =	wrdreg s9;
	s10 =	ssub.s32 $0x2, s2  }
0xa: {  	s22 =	sor.u32 s2, s21;
	s2 =	smul.u32 $0x2710, s2;
	s24 =	sshrl.u32 s10, $0x1  }
0xb: {  	s9 =	sshrl.u32 s23, $0x2;
	s4 =	sadd.s32 s8, s4;
	s8 =	smul.u32 $0x2710, s22  }
0xc: {  	s9 =	sadd.s32 s9, s3;
	s2 =	sadd.s32 s2, s11;
	s4 =	sshrl.u32 s4, $0x3  }
0xd: {  	[dreg:$0x11] =	wrdreg s9;
	s11 =	sadd.s32 $0x4E520, s2;
	s8 =	sshrl.u32 s8, $0x3  }
0xe: {  	s7 =	sadd.s32 $0x280, s2;
	s0 =	sadd.s32 s4, s0;
	s26 =	sadd.s32 s6, s8  }
0xf: {  	s22 =	sshrl.u32 s11, $0x3;
	s0 =	sadd.s32 $0x16C00, s0;
	[dreg:$0x12] =	wrdreg s26  }
0x10: {  	s4 =	ssub.s32 s10, s24;
	s23 =	sadd.s32 s22, s6;
	[dreg:$0x1c] =	wrdreg s0  }
0x11: {  	s10 =	sor.u32 $0x1C04, s25;
	s4 =	smax.u32 s4, $0x1;
	[dreg:$0x6] =	wrdreg s23  }
0x12: {  	s24 =	sadd.s32 $0x2D0, s2;
	s12 =	sadd.s32 $0x9C40, s26;
	[dreg:$0x1d] =	wrdreg s4  }
0x13: {  	s11 =	sshrl.u32 s7, $0x3;
	s13 =	sadd.s32 $0xA, s26;
	[dreg:$0x13] =	wrdreg s12  }
0x14: {  	s8 =	sadd.s32 $0x320, s2;
	s14 =	sadd.s32 $0x9C4A, s26;
	[dreg:$0x14] =	wrdreg s13  }
0x15: {  	s25 =	sshrl.u32 s24, $0x3;
	s15 =	sadd.s32 $0x14, s26;
	[dreg:$0x15] =	wrdreg s14  }
0x16: {  	s22 =	sadd.s32 $0x190, s2;
	s16 =	sadd.s32 $0x9C54, s26;
	[dreg:$0x16] =	wrdreg s15  }
0x17: {  	s17 =	sadd.s32 $0x1E, s26;
	s18 =	sadd.s32 $0x9C5E, s26;
	[dreg:$0x17] =	wrdreg s16  }
0x18: {  	s19 =	sadd.s32 $0x28, s26;
	s20 =	sadd.s32 $0x9C68, s26;
	[dreg:$0x18] =	wrdreg s17  }
0x19: {  	s8 =	sshrl.u32 s8, $0x3;
	s26 =	sadd.s32 $0x4E4D0, s2;
	[dreg:$0x19] =	wrdreg s18  }
0x1a: {  	s0 =	sadd.s32 s25, s6;
	s23 =	sadd.s32 $0x4E390, s2;
	[dreg:$0x1a] =	wrdreg s19  }
0x1b: {  	s4 =	simm.s32 $0x50;
	[dreg:$0x1b] =	wrdreg s20;
	s21 =	sadd.s32 s8, s6  }
0x1c: {  	s8 =	sshrl.u32 s26, $0x3;
	[dreg:$0x7] =	wrdreg s0;
	s12 =	sadd.s32 s11, s6  }
0x1d: {  	s13 =	sadd.s32 $0x4E480, s2;
	s15 =	sadd.s32 $0x230, s2;
	s16 =	sadd.s32 $0x4E430, s2  }
0x1e: {  	s20 =	sadd.s32 $0x4E3E0, s2;
	s25 =	sshrl.u32 s23, $0x3;
	s2 =	sadd.s32 $0x1E0, s2  }
0x1f: {  	s23 =	simm.s32 $0x4;
	s11 =	simm.s32 $0x480;
	[dreg:$0x5] =	wrdreg s21  }
0x20: {  	s9 =	sadd.s32 s8, s6;
	[dreg:$0x9] =	wrdreg s12;
	s14 =	sshrl.u32 s13, $0x3  }
0x21: {  	s8 =	sshrl.u32 s15, $0x3;
	s18 =	sshrl.u32 s16, $0x3;
	s21 =	sshrl.u32 s20, $0x3  }
0x22: {  	s26 =	sadd.s32 s25, s6;
	[dreg:$0x1e] =	wrdreg s2;
	s2 =	simm.s32 $0x600  }
0x23: {  	s12 =	simm.s32 $0x2E00;
	s13 =	simm.s32 $0x2;
	s15 =	simm.s32 $0x500  }
0x24: {  	s16 =	simm.s32 $0x5600;
	s20 =	simm.s32 $0x0;
	[dreg:$0x8] =	wrdreg s9  }
0x25: {  	s0 =	sadd.s32 s14, s6;
	s17 =	sadd.s32 s8, s6;
	[dreg:$0xf] =	wrdreg s26  }
0x26: {  	s19 =	sadd.s32 s18, s6;
	s8 =	sshrl.u32 s22, $0x3;
	[dreg:$0xa] =	wrdreg s0  }
0x27: {  	s9 =	simm.s32 $0xA600;
	s26 =	simm.s32 $0x300;
	[dreg:$0xb] =	wrdreg s17  }
0x28: {  	s14 =	simm.s32 $0x200;
	s18 =	simm.s32 $0x280;
	[dreg:$0xc] =	wrdreg s19  }
0x29: {  	s0 =	sadd.s32 s21, s6;
	s24 =	sadd.s32 s8, s6;
	s8 =	simm.s32 $0x180  }
0x2a: {  	s17 =	simm.s32 $0x3;
	s19 =	simm.s32 $0x580;
	[dreg:$0xd] =	wrdreg s0  }
0x2b: {  	v0 =	vimm.f32 $1.000000000e+00;
	[dreg:$0xe] =	wrdreg s24;
	s24 =	simm.s32 $0x7E00;
	s0 =	simm.s32 $0x1  }
.LBB2_1:
0x2c: {  	s7 =	rddreg [dreg:$0x11]  }
0x2d: {  	s25 =	rddreg [dreg:$0x10];
	s21 =	sshrl.u32 s7, $0x3  }
0x2e: {  	[spmem:s21], [sflag:s10] =	dma.local [hbm:s25], $0x2800  }
0x2f: {  	_ =	swait.ge [sflag:s23], $0x2800  }
0x30: {  	[sflag:s23] =	ssyncset.done $0x0  }
0x31: {  	[sflag:s23] =	ssyncadd.s32 $0xFFFFD800  }
0x32: {  	[tilespmem:s24], [sflag:$0x4] =	stream.linear.gather [hbm4b:s25+s5], $0x2800, $0x38;
	[tilespmem:$0x1E680] =	vst v63  }
0x33: {  	_ =	swait.ge [sflag:s23], $0x2800  }
0x34: {  	[sflag:s23] =	ssyncset.done $0x0  }
0x35: {  	[sflag:s23] =	ssyncadd.s32 $0xFFFFD800  }
0x36: {  	s22 =	rddreg [dreg:$0x2]  }
0x37: {  	[tilespmem:s9], [sflag:$0x4] =	stream.linear.gather [hbm4b:s22+s5], $0x80, $0x38;
	[tilespmem:$0x1E680] =	vst v63  }
0x38: {  	_ =	swait.ge [sflag:s23], $0x80  }
0x39: {  	[sflag:s23] =	ssyncset.done $0x0  }
0x3a: {  	[sflag:s23] =	ssyncadd.s32 $0xFFFFFF80  }
0x3b: {  	[bflag:$0x0] =	sbarrier.arrive $0xFFFF  }
0x3c: {  	s25 =	rddreg [dreg:$0x12]  }
0x3d: {  	[tilespmem:s5], [sflag:$0x1] =	stream.linear.gather [hbm4b:s25+s5], $0x50, $0x38;
	[tilespmem:$0x1E680] =	vst v63  }
0x3e: {  	s9 =	rddreg [dreg:$0x13]  }
0x3f: {  	[tilespmem:s26], [sflag:$0x1] =	stream.linear.gather [hbm4b:s9+s5], $0x50, $0x38;
	[tilespmem:$0x1E680] =	vst v63  }
0x40: {  	s22 =	rddreg [dreg:$0x14]  }
0x41: {  	[tilespmem:s28], [sflag:$0x1] =	stream.linear.gather [hbm4b:s22+s5], $0x50, $0x38;
	[tilespmem:$0x1E680] =	vst v63  }
0x42: {  	s25 =	rddreg [dreg:$0x15]  }
0x43: {  	[tilespmem:s29], [sflag:$0x1] =	stream.linear.gather [hbm4b:s25+s5], $0x50, $0x38;
	[tilespmem:$0x1E680] =	vst v63  }
0x44: {  	s9 =	rddreg [dreg:$0x16]  }
0x45: {  	[tilespmem:s30], [sflag:$0x1] =	stream.linear.gather [hbm4b:s9+s5], $0x50, $0x38;
	[tilespmem:$0x1E680] =	vst v63  }
0x46: {  	s22 =	rddreg [dreg:$0x17]  }
0x47: {  	[tilespmem:s31], [sflag:$0x1] =	stream.linear.gather [hbm4b:s22+s5], $0x50, $0x38;
	[tilespmem:$0x1E680] =	vst v63  }
0x48: {  	_ =	swait.ge [sflag:s0], $0x50  }
0x49: {  	[sflag:s0] =	ssyncset.done $0x0  }
0x4a: {  	[sflag:s0] =	ssyncadd.s32 $0xFFFFFFB0  }
0x4b: {  	_ =	swait.ge [sflag:s0], $0x50  }
0x4c: {  	[sflag:s0] =	ssyncset.done $0x0  }
0x4d: {  	[sflag:s0] =	ssyncadd.s32 $0xFFFFFFB0  }
0x4e: {  	_ =	swait.ge [sflag:s0], $0x50  }
0x4f: {  	[sflag:s0] =	ssyncset.done $0x0  }
0x50: {  	[sflag:s0] =	ssyncadd.s32 $0xFFFFFFB0  }
0x51: {  	_ =	swait.ge [sflag:s0], $0x50  }
0x52: {  	[sflag:s0] =	ssyncset.done $0x0  }
0x53: {  	[sflag:s0] =	ssyncadd.s32 $0xFFFFFFB0  }
0x54: {  	[tilespmem:s2], [sflag:$0x2] =	stream.indirect.gather [hbm4b:s1+s4], $0x80, s5, s4, $0xb8;
	[tilespmem:$0x1E680] =	vst v63  }
0x55: {  	s25 =	rddreg [dreg:$0x18]  }
0x56: {  	[tilespmem:s8], [sflag:$0x1] =	stream.linear.gather [hbm4b:s25+s5], $0x50, $0x38;
	[tilespmem:$0x1E680] =	vst v63  }
0x57: {  	s9 =	rddreg [dreg:$0x19]  }
0x58: {  	[tilespmem:s11], [sflag:$0x1] =	stream.linear.gather [hbm4b:s9+s5], $0x50, $0x38;
	[tilespmem:$0x1E680] =	vst v63  }
0x59: {  	_ =	swait.ge [sflag:s0], $0x50  }
0x5a: {  	[sflag:s0] =	ssyncset.done $0x0  }
0x5b: {  	[sflag:s0] =	ssyncadd.s32 $0xFFFFFFB0  }
0x5c: {  	_ =	swait.ge [sflag:s0], $0x50  }
0x5d: {  	[sflag:s0] =	ssyncset.done $0x0  }
0x5e: {  	[sflag:s0] =	ssyncadd.s32 $0xFFFFFFB0  }
0x5f: {  	[tilespmem:s12], [sflag:$0x2] =	stream.indirect.gather [hbm4b:s1+s4], $0x80, s28, s4, $0xb8;
	[tilespmem:$0x1E680] =	vst v63  }
0x60: {  	_ =	swait.ge [sflag:s13], $0x2800  }
0x61: {  	[sflag:s13] =	ssyncset.done $0x0  }
0x62: {  	[sflag:s13] =	ssyncadd.s32 $0xFFFFD800  }
0x63: {  	v1 =	vld [tilespmem:$0x300];
	_ =	sdelay $0x7  }
0x64: {  	[tilespmem:v1+s24+$0x0] =	vst.idx.add.f32.msk $0xffff, v0  }
0x65: {  	v1 =	vld [tilespmem:$0x310];
	_ =	sdelay $0x7  }
0x66: {  	[tilespmem:v1+s24+$0x0] =	vst.idx.add.f32.msk $0xffff, v0  }
0x67: {  	v1 =	vld [tilespmem:$0x320];
	_ =	sdelay $0x7  }
0x68: {  	[tilespmem:v1+s24+$0x0] =	vst.idx.add.f32.msk $0xffff, v0  }
0x69: {  	v1 =	vld [tilespmem:$0x330];
	_ =	sdelay $0x7  }
0x6a: {  	[tilespmem:v1+s24+$0x0] =	vst.idx.add.f32.msk $0xffff, v0  }
0x6b: {  	v1 =	vld [tilespmem:$0x340];
	_ =	sdelay $0x7  }
0x6c: {  	[tilespmem:v1+s24+$0x0] =	vst.idx.add.f32.msk $0xffff, v0  }
0x6d: {  	[spmem:s3] =	stream.indirect.scatter.add.f32 [tilespmem:s2], [sflag:$0x3], $0x80, s26, s4, $0xb8;
	[tilespmem:$0x1E680] =	vst v63  }
0x6e: {  	s22 =	rddreg [dreg:$0x1a]  }
0x6f: {  	[tilespmem:s14], [sflag:$0x1] =	stream.linear.gather [hbm4b:s22+s5], $0x50, $0x38;
	[tilespmem:$0x1E680] =	vst v63  }
0x70: {  	s25 =	rddreg [dreg:$0x1b]  }
0x71: {  	[tilespmem:s15], [sflag:$0x1] =	stream.linear.gather [hbm4b:s25+s5], $0x50, $0x38;
	[tilespmem:$0x1E680] =	vst v63  }
0x72: {  	_ =	swait.ge [sflag:s0], $0x50  }
0x73: {  	[sflag:s0] =	ssyncset.done $0x0  }
0x74: {  	[sflag:s0] =	ssyncadd.s32 $0xFFFFFFB0  }
0x75: {  	_ =	swait.ge [sflag:s0], $0x50  }
0x76: {  	[sflag:s0] =	ssyncset.done $0x0  }
0x77: {  	[sflag:s0] =	ssyncadd.s32 $0xFFFFFFB0  }
0x78: {  	[tilespmem:s16], [sflag:$0x2] =	stream.indirect.gather [hbm4b:s1+s4], $0x80, s30, s4, $0xb8;
	[tilespmem:$0x1E680] =	vst v63  }
0x79: {  	_ =	swait.ge [sflag:s13], $0x2800  }
0x7a: {  	[sflag:s13] =	ssyncset.done $0x0  }
0x7b: {  	[sflag:s13] =	ssyncadd.s32 $0xFFFFD800  }
0x7c: {  	v1 =	vld [tilespmem:$0x380];
	_ =	sdelay $0x7  }
0x7d: {  	[tilespmem:v1+s24+$0x0] =	vst.idx.add.f32.msk $0xffff, v0  }
0x7e: {  	v1 =	vld [tilespmem:$0x390];
	_ =	sdelay $0x7  }
0x7f: {  	[tilespmem:v1+s24+$0x0] =	vst.idx.add.f32.msk $0xffff, v0  }
0x80: {  	v1 =	vld [tilespmem:$0x3A0];
	_ =	sdelay $0x7  }
0x81: {  	[tilespmem:v1+s24+$0x0] =	vst.idx.add.f32.msk $0xffff, v0  }
0x82: {  	v1 =	vld [tilespmem:$0x3B0];
	_ =	sdelay $0x7  }
0x83: {  	[tilespmem:v1+s24+$0x0] =	vst.idx.add.f32.msk $0xffff, v0  }
0x84: {  	v1 =	vld [tilespmem:$0x3C0];
	_ =	sdelay $0x7  }
0x85: {  	s25 =	simm.s32 $0x0;
	s22 =	rddreg [dreg:$0x1e];
	[tilespmem:v1+s24+$0x0] =	vst.idx.add.f32.msk $0xffff, v0  }
0x86: {  	[spmem:s3] =	stream.indirect.scatter.add.f32 [tilespmem:s12], [sflag:$0x3], $0x80, s29, s4, $0xb8;
	[tilespmem:$0x1E680] =	vst v63  }
.LBB2_2:
0x87: {  	_ =	swait.ge [sflag:s17], $0x2800  }
0x88: {  	s9 =	rddreg [dreg:$0xe];
	[sflag:s17] =	ssyncset.done $0x0  }
0x89: {  	s7 =	rddreg [dreg:$0xf];
	[sflag:s17] =	ssyncadd.s32 $0xFFFFD800;
	s9 =	sadd.s32 s25, s9  }
0x8a: {  	[tilespmem:s18], [sflag:$0x1] =	stream.linear.gather [hbm4b:s9+s5], $0x50, $0x38;
	[tilespmem:$0x1E680] =	vst v63  }
0x8b: {  	s7 =	sadd.s32 s25, s7  }
0x8c: {  	[tilespmem:s19], [sflag:$0x1] =	stream.linear.gather [hbm4b:s7+s5], $0x50, $0x38;
	[tilespmem:$0x1E680] =	vst v63  }
0x8d: {  	_ =	swait.ge [sflag:s0], $0x50  }
0x8e: {  	[sflag:s0] =	ssyncset.done $0x0  }
0x8f: {  	[sflag:s0] =	ssyncadd.s32 $0xFFFFFFB0  }
0x90: {  	_ =	swait.ge [sflag:s0], $0x50  }
0x91: {  	[sflag:s0] =	ssyncset.done $0x0  }
0x92: {  	[sflag:s0] =	ssyncadd.s32 $0xFFFFFFB0  }
0x93: {  	[tilespmem:s2], [sflag:$0x2] =	stream.indirect.gather [hbm4b:s1+s4], $0x80, s8, s4, $0xb8;
	[tilespmem:$0x1E680] =	vst v63  }
0x94: {  	_ =	swait.ge [sflag:s13], $0x2800  }
0x95: {  	[sflag:s13] =	ssyncset.done $0x0  }
0x96: {  	[sflag:s13] =	ssyncadd.s32 $0xFFFFD800  }
0x97: {  	v1 =	vld [tilespmem:$0x400];
	_ =	sdelay $0x7  }
0x98: {  	[tilespmem:v1+s24+$0x0] =	vst.idx.add.f32.msk $0xffff, v0  }
0x99: {  	v1 =	vld [tilespmem:$0x410];
	_ =	sdelay $0x7  }
0x9a: {  	[tilespmem:v1+s24+$0x0] =	vst.idx.add.f32.msk $0xffff, v0  }
0x9b: {  	v1 =	vld [tilespmem:$0x420];
	_ =	sdelay $0x7  }
0x9c: {  	[tilespmem:v1+s24+$0x0] =	vst.idx.add.f32.msk $0xffff, v0  }
0x9d: {  	v1 =	vld [tilespmem:$0x430];
	_ =	sdelay $0x7  }
0x9e: {  	[tilespmem:v1+s24+$0x0] =	vst.idx.add.f32.msk $0xffff, v0  }
0x9f: {  	v1 =	vld [tilespmem:$0x440];
	_ =	sdelay $0x7  }
0xa0: {  	[tilespmem:v1+s24+$0x0] =	vst.idx.add.f32.msk $0xffff, v0  }
0xa1: {  	[spmem:s3] =	stream.indirect.scatter.add.f32 [tilespmem:s16], [sflag:$0x3], $0x80, s31, s4, $0xb8;
	[tilespmem:$0x1E680] =	vst v63  }
0xa2: {  	_ =	swait.ge [sflag:s17], $0x2800  }
0xa3: {  	s7 =	sshrl.u32 s22, $0x3;
	[sflag:s17] =	ssyncset.done $0x0  }
0xa4: {  	s7 =	sadd.s32 s6, s7;
	s9 =	rddreg [dreg:$0xd];
	[sflag:s17] =	ssyncadd.s32 $0xFFFFD800  }
0xa5: {  	[tilespmem:s5], [sflag:$0x1] =	stream.linear.gather [hbm4b:s7+s5], $0x50, $0x38;
	[tilespmem:$0x1E680] =	vst v63  }
0xa6: {  	s9 =	sadd.s32 s25, s9  }
0xa7: {  	[tilespmem:s26], [sflag:$0x1] =	stream.linear.gather [hbm4b:s9+s5], $0x50, $0x38;
	[tilespmem:$0x1E680] =	vst v63  }
0xa8: {  	_ =	swait.ge [sflag:s0], $0x50  }
0xa9: {  	[sflag:s0] =	ssyncset.done $0x0  }
0xaa: {  	[sflag:s0] =	ssyncadd.s32 $0xFFFFFFB0  }
0xab: {  	_ =	swait.ge [sflag:s0], $0x50  }
0xac: {  	[sflag:s0] =	ssyncset.done $0x0  }
0xad: {  	[sflag:s0] =	ssyncadd.s32 $0xFFFFFFB0  }
0xae: {  	[tilespmem:s12], [sflag:$0x2] =	stream.indirect.gather [hbm4b:s1+s4], $0x80, s14, s4, $0xb8;
	[tilespmem:$0x1E680] =	vst v63  }
0xaf: {  	_ =	swait.ge [sflag:s13], $0x2800  }
0xb0: {  	[sflag:s13] =	ssyncset.done $0x0  }
0xb1: {  	[sflag:s13] =	ssyncadd.s32 $0xFFFFD800  }
0xb2: {  	v1 =	vld [tilespmem:$0x480];
	_ =	sdelay $0x7  }
0xb3: {  	[tilespmem:v1+s24+$0x0] =	vst.idx.add.f32.msk $0xffff, v0  }
0xb4: {  	v1 =	vld [tilespmem:$0x490];
	_ =	sdelay $0x7  }
0xb5: {  	[tilespmem:v1+s24+$0x0] =	vst.idx.add.f32.msk $0xffff, v0  }
0xb6: {  	v1 =	vld [tilespmem:$0x4A0];
	_ =	sdelay $0x7  }
0xb7: {  	[tilespmem:v1+s24+$0x0] =	vst.idx.add.f32.msk $0xffff, v0  }
0xb8: {  	v1 =	vld [tilespmem:$0x4B0];
	_ =	sdelay $0x7  }
0xb9: {  	[tilespmem:v1+s24+$0x0] =	vst.idx.add.f32.msk $0xffff, v0  }
0xba: {  	v1 =	vld [tilespmem:$0x4C0];
	_ =	sdelay $0x7  }
0xbb: {  	[tilespmem:v1+s24+$0x0] =	vst.idx.add.f32.msk $0xffff, v0  }
0xbc: {  	[spmem:s3] =	stream.indirect.scatter.add.f32 [tilespmem:s2], [sflag:$0x3], $0x80, s11, s4, $0xb8;
	[tilespmem:$0x1E680] =	vst v63  }
0xbd: {  	_ =	swait.ge [sflag:s17], $0x2800  }
0xbe: {  	s7 =	rddreg [dreg:$0xb];
	[sflag:s17] =	ssyncset.done $0x0  }
0xbf: {  	s9 =	rddreg [dreg:$0xc];
	[sflag:s17] =	ssyncadd.s32 $0xFFFFD800;
	s7 =	sadd.s32 s25, s7  }
0xc0: {  	[tilespmem:s28], [sflag:$0x1] =	stream.linear.gather [hbm4b:s7+s5], $0x50, $0x38;
	[tilespmem:$0x1E680] =	vst v63  }
0xc1: {  	s9 =	sadd.s32 s25, s9  }
0xc2: {  	[tilespmem:s29], [sflag:$0x1] =	stream.linear.gather [hbm4b:s9+s5], $0x50, $0x38;
	[tilespmem:$0x1E680] =	vst v63  }
0xc3: {  	_ =	swait.ge [sflag:s0], $0x50  }
0xc4: {  	[sflag:s0] =	ssyncset.done $0x0  }
0xc5: {  	[sflag:s0] =	ssyncadd.s32 $0xFFFFFFB0  }
0xc6: {  	_ =	swait.ge [sflag:s0], $0x50  }
0xc7: {  	[sflag:s0] =	ssyncset.done $0x0  }
0xc8: {  	[sflag:s0] =	ssyncadd.s32 $0xFFFFFFB0  }
0xc9: {  	[tilespmem:s16], [sflag:$0x2] =	stream.indirect.gather [hbm4b:s1+s4], $0x80, s18, s4, $0xb8;
	[tilespmem:$0x1E680] =	vst v63  }
0xca: {  	_ =	swait.ge [sflag:s13], $0x2800  }
0xcb: {  	[sflag:s13] =	ssyncset.done $0x0  }
0xcc: {  	[sflag:s13] =	ssyncadd.s32 $0xFFFFD800  }
0xcd: {  	v1 =	vld [tilespmem:$0x500];
	_ =	sdelay $0x7  }
0xce: {  	[tilespmem:v1+s24+$0x0] =	vst.idx.add.f32.msk $0xffff, v0  }
0xcf: {  	v1 =	vld [tilespmem:$0x510];
	_ =	sdelay $0x7  }
0xd0: {  	[tilespmem:v1+s24+$0x0] =	vst.idx.add.f32.msk $0xffff, v0  }
0xd1: {  	v1 =	vld [tilespmem:$0x520];
	_ =	sdelay $0x7  }
0xd2: {  	[tilespmem:v1+s24+$0x0] =	vst.idx.add.f32.msk $0xffff, v0  }
0xd3: {  	v1 =	vld [tilespmem:$0x530];
	_ =	sdelay $0x7  }
0xd4: {  	[tilespmem:v1+s24+$0x0] =	vst.idx.add.f32.msk $0xffff, v0  }
0xd5: {  	v1 =	vld [tilespmem:$0x540];
	_ =	sdelay $0x7  }
0xd6: {  	[tilespmem:v1+s24+$0x0] =	vst.idx.add.f32.msk $0xffff, v0  }
0xd7: {  	[spmem:s3] =	stream.indirect.scatter.add.f32 [tilespmem:s12], [sflag:$0x3], $0x80, s15, s4, $0xb8;
	[tilespmem:$0x1E680] =	vst v63  }
0xd8: {  	_ =	swait.ge [sflag:s17], $0x2800  }
0xd9: {  	s7 =	rddreg [dreg:$0x9];
	[sflag:s17] =	ssyncset.done $0x0  }
0xda: {  	s9 =	rddreg [dreg:$0xa];
	[sflag:s17] =	ssyncadd.s32 $0xFFFFD800;
	s7 =	sadd.s32 s25, s7  }
0xdb: {  	[tilespmem:s30], [sflag:$0x1] =	stream.linear.gather [hbm4b:s7+s5], $0x50, $0x38;
	[tilespmem:$0x1E680] =	vst v63  }
0xdc: {  	s9 =	sadd.s32 s25, s9  }
0xdd: {  	[tilespmem:s31], [sflag:$0x1] =	stream.linear.gather [hbm4b:s9+s5], $0x50, $0x38;
	[tilespmem:$0x1E680] =	vst v63  }
0xde: {  	_ =	swait.ge [sflag:s0], $0x50  }
0xdf: {  	[sflag:s0] =	ssyncset.done $0x0  }
0xe0: {  	[sflag:s0] =	ssyncadd.s32 $0xFFFFFFB0  }
0xe1: {  	_ =	swait.ge [sflag:s0], $0x50  }
0xe2: {  	[sflag:s0] =	ssyncset.done $0x0  }
0xe3: {  	[sflag:s0] =	ssyncadd.s32 $0xFFFFFFB0  }
0xe4: {  	[tilespmem:s2], [sflag:$0x2] =	stream.indirect.gather [hbm4b:s1+s4], $0x80, s5, s4, $0xb8;
	[tilespmem:$0x1E680] =	vst v63  }
0xe5: {  	_ =	swait.ge [sflag:s13], $0x2800  }
0xe6: {  	[sflag:s13] =	ssyncset.done $0x0  }
0xe7: {  	[sflag:s13] =	ssyncadd.s32 $0xFFFFD800  }
0xe8: {  	v1 =	vld [tilespmem:$0x580];
	_ =	sdelay $0x7  }
0xe9: {  	[tilespmem:v1+s24+$0x0] =	vst.idx.add.f32.msk $0xffff, v0  }
0xea: {  	v1 =	vld [tilespmem:$0x590];
	_ =	sdelay $0x7  }
0xeb: {  	[tilespmem:v1+s24+$0x0] =	vst.idx.add.f32.msk $0xffff, v0  }
0xec: {  	v1 =	vld [tilespmem:$0x5A0];
	_ =	sdelay $0x7  }
0xed: {  	[tilespmem:v1+s24+$0x0] =	vst.idx.add.f32.msk $0xffff, v0  }
0xee: {  	v1 =	vld [tilespmem:$0x5B0];
	_ =	sdelay $0x7  }
0xef: {  	[tilespmem:v1+s24+$0x0] =	vst.idx.add.f32.msk $0xffff, v0  }
0xf0: {  	v1 =	vld [tilespmem:$0x5C0];
	_ =	sdelay $0x7  }
0xf1: {  	[tilespmem:v1+s24+$0x0] =	vst.idx.add.f32.msk $0xffff, v0  }
0xf2: {  	[spmem:s3] =	stream.indirect.scatter.add.f32 [tilespmem:s16], [sflag:$0x3], $0x80, s19, s4, $0xb8;
	[tilespmem:$0x1E680] =	vst v63  }
0xf3: {  	_ =	swait.ge [sflag:s17], $0x2800  }
0xf4: {  	s7 =	rddreg [dreg:$0x7];
	[sflag:s17] =	ssyncset.done $0x0  }
0xf5: {  	s9 =	rddreg [dreg:$0x8];
	[sflag:s17] =	ssyncadd.s32 $0xFFFFD800;
	s7 =	sadd.s32 s25, s7  }
0xf6: {  	[tilespmem:s8], [sflag:$0x1] =	stream.linear.gather [hbm4b:s7+s5], $0x50, $0x38;
	[tilespmem:$0x1E680] =	vst v63  }
0xf7: {  	s9 =	sadd.s32 s25, s9  }
0xf8: {  	[tilespmem:s11], [sflag:$0x1] =	stream.linear.gather [hbm4b:s9+s5], $0x50, $0x38;
	[tilespmem:$0x1E680] =	vst v63  }
0xf9: {  	_ =	swait.ge [sflag:s0], $0x50  }
0xfa: {  	[sflag:s0] =	ssyncset.done $0x0  }
0xfb: {  	[sflag:s0] =	ssyncadd.s32 $0xFFFFFFB0  }
0xfc: {  	_ =	swait.ge [sflag:s0], $0x50  }
0xfd: {  	[sflag:s0] =	ssyncset.done $0x0  }
0xfe: {  	[sflag:s0] =	ssyncadd.s32 $0xFFFFFFB0  }
0xff: {  	[tilespmem:s12], [sflag:$0x2] =	stream.indirect.gather [hbm4b:s1+s4], $0x80, s28, s4, $0xb8;
	[tilespmem:$0x1E680] =	vst v63  }
0x100: {  	_ =	swait.ge [sflag:s13], $0x2800  }
0x101: {  	[sflag:s13] =	ssyncset.done $0x0  }
0x102: {  	[sflag:s13] =	ssyncadd.s32 $0xFFFFD800  }
0x103: {  	v1 =	vld [tilespmem:$0x300];
	_ =	sdelay $0x7  }
0x104: {  	[tilespmem:v1+s24+$0x0] =	vst.idx.add.f32.msk $0xffff, v0  }
0x105: {  	v1 =	vld [tilespmem:$0x310];
	_ =	sdelay $0x7  }
0x106: {  	[tilespmem:v1+s24+$0x0] =	vst.idx.add.f32.msk $0xffff, v0  }
0x107: {  	v1 =	vld [tilespmem:$0x320];
	_ =	sdelay $0x7  }
0x108: {  	[tilespmem:v1+s24+$0x0] =	vst.idx.add.f32.msk $0xffff, v0  }
0x109: {  	v1 =	vld [tilespmem:$0x330];
	_ =	sdelay $0x7  }
0x10a: {  	[tilespmem:v1+s24+$0x0] =	vst.idx.add.f32.msk $0xffff, v0  }
0x10b: {  	v1 =	vld [tilespmem:$0x340];
	_ =	sdelay $0x7  }
0x10c: {  	[tilespmem:v1+s24+$0x0] =	vst.idx.add.f32.msk $0xffff, v0  }
0x10d: {  	[spmem:s3] =	stream.indirect.scatter.add.f32 [tilespmem:s2], [sflag:$0x3], $0x80, s26, s4, $0xb8;
	[tilespmem:$0x1E680] =	vst v63  }
0x10e: {  	_ =	swait.ge [sflag:s17], $0x2800  }
0x10f: {  	s7 =	rddreg [dreg:$0x5];
	[sflag:s17] =	ssyncset.done $0x0  }
0x110: {  	s9 =	rddreg [dreg:$0x6];
	[sflag:s17] =	ssyncadd.s32 $0xFFFFD800;
	s7 =	sadd.s32 s25, s7  }
0x111: {  	[tilespmem:s14], [sflag:$0x1] =	stream.linear.gather [hbm4b:s7+s5], $0x50, $0x38;
	[tilespmem:$0x1E680] =	vst v63  }
0x112: {  	s9 =	sadd.s32 s25, s9  }
0x113: {  	[tilespmem:s15], [sflag:$0x1] =	stream.linear.gather [hbm4b:s9+s5], $0x50, $0x38;
	[tilespmem:$0x1E680] =	vst v63  }
0x114: {  	_ =	swait.ge [sflag:s0], $0x50  }
0x115: {  	[sflag:s0] =	ssyncset.done $0x0  }
0x116: {  	[sflag:s0] =	ssyncadd.s32 $0xFFFFFFB0  }
0x117: {  	_ =	swait.ge [sflag:s0], $0x50  }
0x118: {  	[sflag:s0] =	ssyncset.done $0x0  }
0x119: {  	[sflag:s0] =	ssyncadd.s32 $0xFFFFFFB0  }
0x11a: {  	[tilespmem:s16], [sflag:$0x2] =	stream.indirect.gather [hbm4b:s1+s4], $0x80, s30, s4, $0xb8;
	[tilespmem:$0x1E680] =	vst v63  }
0x11b: {  	_ =	swait.ge [sflag:s13], $0x2800  }
0x11c: {  	[sflag:s13] =	ssyncset.done $0x0  }
0x11d: {  	[sflag:s13] =	ssyncadd.s32 $0xFFFFD800  }
0x11e: {  	v1 =	vld [tilespmem:$0x380];
	_ =	sdelay $0x7  }
0x11f: {  	[tilespmem:v1+s24+$0x0] =	vst.idx.add.f32.msk $0xffff, v0  }
0x120: {  	v1 =	vld [tilespmem:$0x390];
	_ =	sdelay $0x7  }
0x121: {  	[tilespmem:v1+s24+$0x0] =	vst.idx.add.f32.msk $0xffff, v0  }
0x122: {  	v1 =	vld [tilespmem:$0x3A0];
	_ =	sdelay $0x7  }
0x123: {  	[tilespmem:v1+s24+$0x0] =	vst.idx.add.f32.msk $0xffff, v0  }
0x124: {  	v1 =	vld [tilespmem:$0x3B0];
	_ =	sdelay $0x7  }
0x125: {  	[tilespmem:v1+s24+$0x0] =	vst.idx.add.f32.msk $0xffff, v0  }
0x126: {  	v1 =	vld [tilespmem:$0x3C0];
	_ =	sdelay $0x3  }
0x127: {  	p0 =	sne.s32 s25, $0x474  }
.Ltmp0:
0x128: {  	_ = 	snop;
	(pc) =	sbr.rel @p0 .LBB2_2-.Ltmp0, $3  }
0x129: {  	_ =	sdelay $0x1  }
0x12a: {  	s22 =	sadd.s32 $0x1E0, s22;
	s25 =	sadd.s32 $0x3C, s25;
	[tilespmem:v1+s24+$0x0] =	vst.idx.add.f32.msk $0xffff, v0  }
0x12b: {  	[spmem:s3] =	stream.indirect.scatter.add.f32 [tilespmem:s12], [sflag:$0x3], $0x80, s29, s4, $0xb8;
	[tilespmem:$0x1E680] =	vst v63  }
0x12c: {  	_ =	swait.ge [sflag:s17], $0x2800  }
0x12d: {  	[sflag:s17] =	ssyncset.done $0x0  }
0x12e: {  	[sflag:s17] =	ssyncadd.s32 $0xFFFFD800  }
0x12f: {  	_ =	swait.ge [sflag:s0], $0x50  }
0x130: {  	[sflag:s0] =	ssyncset.done $0x0  }
0x131: {  	[sflag:s0] =	ssyncadd.s32 $0xFFFFFFB0  }
0x132: {  	_ =	swait.ge [sflag:s0], $0x50  }
0x133: {  	[sflag:s0] =	ssyncset.done $0x0  }
0x134: {  	[sflag:s0] =	ssyncadd.s32 $0xFFFFFFB0  }
0x135: {  	[tilespmem:s2], [sflag:$0x2] =	stream.indirect.gather [hbm4b:s1+s4], $0x80, s8, s4, $0xb8;
	[tilespmem:$0x1E680] =	vst v63  }
0x136: {  	_ =	swait.ge [sflag:s13], $0x2800  }
0x137: {  	[sflag:s13] =	ssyncset.done $0x0  }
0x138: {  	[sflag:s13] =	ssyncadd.s32 $0xFFFFD800  }
0x139: {  	v1 =	vld [tilespmem:$0x400];
	_ =	sdelay $0x7  }
0x13a: {  	[tilespmem:v1+s24+$0x0] =	vst.idx.add.f32.msk $0xffff, v0  }
0x13b: {  	v1 =	vld [tilespmem:$0x410];
	_ =	sdelay $0x7  }
0x13c: {  	[tilespmem:v1+s24+$0x0] =	vst.idx.add.f32.msk $0xffff, v0  }
0x13d: {  	v1 =	vld [tilespmem:$0x420];
	_ =	sdelay $0x7  }
0x13e: {  	[tilespmem:v1+s24+$0x0] =	vst.idx.add.f32.msk $0xffff, v0  }
0x13f: {  	v1 =	vld [tilespmem:$0x430];
	_ =	sdelay $0x7  }
0x140: {  	[tilespmem:v1+s24+$0x0] =	vst.idx.add.f32.msk $0xffff, v0  }
0x141: {  	v1 =	vld [tilespmem:$0x440];
	_ =	sdelay $0x7  }
0x142: {  	[tilespmem:v1+s24+$0x0] =	vst.idx.add.f32.msk $0xffff, v0  }
0x143: {  	[spmem:s3] =	stream.indirect.scatter.add.f32 [tilespmem:s16], [sflag:$0x3], $0x80, s31, s4, $0xb8;
	[tilespmem:$0x1E680] =	vst v63  }
0x144: {  	_ =	swait.ge [sflag:s17], $0x2800  }
0x145: {  	[sflag:s17] =	ssyncset.done $0x0  }
0x146: {  	[sflag:s17] =	ssyncadd.s32 $0xFFFFD800  }
0x147: {  	[tilespmem:s12], [sflag:$0x2] =	stream.indirect.gather [hbm4b:s1+s4], $0x80, s14, s4, $0xb8;
	[tilespmem:$0x1E680] =	vst v63  }
0x148: {  	_ =	swait.ge [sflag:s13], $0x2800  }
0x149: {  	[sflag:s13] =	ssyncset.done $0x0  }
0x14a: {  	[sflag:s13] =	ssyncadd.s32 $0xFFFFD800  }
0x14b: {  	v1 =	vld [tilespmem:$0x480];
	_ =	sdelay $0x7  }
0x14c: {  	[tilespmem:v1+s24+$0x0] =	vst.idx.add.f32.msk $0xffff, v0  }
0x14d: {  	v1 =	vld [tilespmem:$0x490];
	_ =	sdelay $0x7  }
0x14e: {  	[tilespmem:v1+s24+$0x0] =	vst.idx.add.f32.msk $0xffff, v0  }
0x14f: {  	v1 =	vld [tilespmem:$0x4A0];
	_ =	sdelay $0x7  }
0x150: {  	[tilespmem:v1+s24+$0x0] =	vst.idx.add.f32.msk $0xffff, v0  }
0x151: {  	v1 =	vld [tilespmem:$0x4B0];
	_ =	sdelay $0x7  }
0x152: {  	[tilespmem:v1+s24+$0x0] =	vst.idx.add.f32.msk $0xffff, v0  }
0x153: {  	v1 =	vld [tilespmem:$0x4C0];
	_ =	sdelay $0x7  }
0x154: {  	[tilespmem:v1+s24+$0x0] =	vst.idx.add.f32.msk $0xffff, v0  }
0x155: {  	[spmem:s3] =	stream.indirect.scatter.add.f32 [tilespmem:s2], [sflag:$0x3], $0x80, s11, s4, $0xb8;
	[tilespmem:$0x1E680] =	vst v63  }
0x156: {  	_ =	swait.ge [sflag:s17], $0x2800  }
0x157: {  	[sflag:s17] =	ssyncset.done $0x0  }
0x158: {  	[sflag:s17] =	ssyncadd.s32 $0xFFFFD800  }
0x159: {  	_ =	swait.ge [sflag:s13], $0x2800  }
0x15a: {  	[sflag:s13] =	ssyncset.done $0x0  }
0x15b: {  	[sflag:s13] =	ssyncadd.s32 $0xFFFFD800  }
0x15c: {  	v1 =	vld [tilespmem:$0x500];
	_ =	sdelay $0x7  }
0x15d: {  	[tilespmem:v1+s24+$0x0] =	vst.idx.add.f32.msk $0xffff, v0  }
0x15e: {  	v1 =	vld [tilespmem:$0x510];
	_ =	sdelay $0x7  }
0x15f: {  	[tilespmem:v1+s24+$0x0] =	vst.idx.add.f32.msk $0xffff, v0  }
0x160: {  	v1 =	vld [tilespmem:$0x520];
	_ =	sdelay $0x7  }
0x161: {  	[tilespmem:v1+s24+$0x0] =	vst.idx.add.f32.msk $0xffff, v0  }
0x162: {  	v1 =	vld [tilespmem:$0x530];
	_ =	sdelay $0x7  }
0x163: {  	[tilespmem:v1+s24+$0x0] =	vst.idx.add.f32.msk $0xffff, v0  }
0x164: {  	v1 =	vld [tilespmem:$0x540];
	_ =	sdelay $0x7  }
0x165: {  	[tilespmem:v1+s24+$0x0] =	vst.idx.add.f32.msk $0xffff, v0  }
0x166: {  	[spmem:s3] =	stream.indirect.scatter.add.f32 [tilespmem:s12], [sflag:$0x3], $0x80, s15, s4, $0xb8;
	[tilespmem:$0x1E680] =	vst v63  }
0x167: {  	_ =	swait.ge [sflag:s17], $0x2800  }
0x168: {  	[sflag:s17] =	ssyncset.done $0x0  }
0x169: {  	[sflag:s17] =	ssyncadd.s32 $0xFFFFD800  }
0x16a: {  	_ =	swait.ge [sflag:s17], $0x2800  }
0x16b: {  	[sflag:s17] =	ssyncset.done $0x0  }
0x16c: {  	s9 =	simm.s32 $0xA600;
	[sflag:s17] =	ssyncadd.s32 $0xFFFFD800  }
0x16d: {  	[spmem:s3] =	stream.indirect.scatter.add.f32 [tilespmem:s24], [sflag:$0x4], $0x80, s9, s4, $0xb8;
	[tilespmem:$0x1E680] =	vst v63  }
0x16e: {  	_ =	swait.ge [sflag:s23], $0x2800  }
0x16f: {  	[sflag:s23] =	ssyncset.done $0x0  }
0x170: {  	[sflag:s23] =	ssyncadd.s32 $0xFFFFD800  }
0x171: {  	[bflag:$0x0] =	sbarrier.arrive $0xFFFF  }
0x172: {  	s7 =	rddreg [dreg:$0x1c]  }
0x173: {  	[hbm:s7], [sflag:s10] =	dma.local [spmem:s21], $0x2800  }
0x174: {  	_ =	swait.ge [sflag:s23], $0x2800  }
0x175: {  	s20 =	sadd.s32 $0x1, s20;
	s25 =	rddreg [dreg:$0x1d]  }
0x176: {  	p0 =	sne.s32 s20, s25  }
.Ltmp1:
0x177: {  	_ = 	snop;
	(pc) =	sbr.rel @p0 .LBB2_1-.Ltmp1, $3  }
0x178: {  	_ =	sdelay $0x1  }
0x179: {  	[sflag:s23] =	ssyncset.done $0x0  }
0x17a: {  	[sflag:s23] =	ssyncadd.s32 $0xFFFFD800  }
0x17b: {  	_ =	sfence.sel $0x180000  }
0x17c: {  	[bflag:$0x0] =	sbarrier.arrive $0xFFFF  }
0x17d: {  	_ =	strace $0x90000047  }
0x17e: {  	s0 =	stileid.u32;
	[bflag:$0x2] =	sbarrier.arrive $0xFFFF  }
0x17f: {  	p0 =	sne.s32 s0, $0x0;
	s0 =	rddreg [dreg:$0x4]  }
0x180: {  	s0 =	sadd.s32 @!p0 $0x100000, s0  }
0x181: {  	[sflag:s0] =	ssyncadd.tile.s32 @!p0 $0x1;
	_ =	shalt  }
.Lfunc_end2:
_tile_overlayer_lowered:
.L_overlay_start_2:
0x182: {  	(tag) =	ssettag $0x2  }
0x183: {  	s0 =	rddreg [dreg:$0x0];
	s2 =	stileid.u32  }
0x184: {  	s1 =	rddreg [dreg:$0x1];
	p0 =	sne.s32 s2, $0x0  }
0x185: {  	s3 =	rddreg [dreg:$0x2];
	[bflag:$0x3] =	sbarrier.arrive $0xFFFF;
	s2 =	simm.s32 @!p0 $0x1C04  }
0x186: {  	[timem:s3], [sflag:s2] =	dma.local @!p0 [hbm:s0], s1  }
0x187: {  	s0 =	simm.s32 @!p0 $0x4  }
0x188: {  	_ =	swait.ge @!p0 [sflag:s0], s1  }
0x189: {  	s1 =	ssub.s32 @!p0 $0x0, s1;
	[sflag:s0] =	ssyncset.done @!p0 $0x0  }
0x18a: {  	[sflag:s0] =	ssyncadd.s32 @!p0 s1  }
0x18b: {  	[bflag:$0x3] =	sbarrier.arrive $0xFFFF  }
0x18c: {  	_ =	shalt  }

</sc_bundles>
